<compile_context>
chip_gen: v7x
topology: tpu7x:2x2x1
jax: 0.10.2.dev20260603
libtpu: 0.0.44.dev20260713+nightly
codegen_flags: <defaults>
</compile_context>

<pallas_src>
import functools

import jax
import jax.numpy as jnp
from jax import lax
from jax.experimental import pallas as pl
from jax.experimental.pallas import tpu as pltpu
from jax.experimental.pallas import tpu_sc as plsc

D = 2048
NC = 2
NS = 16
NW = NC * NS
CH = 8
NBUF = 4


def _emb_body(idx_hbm, table_hbm, out_hbm, idx_v, bufs, *sems):
    b_per_w = idx_v.shape[0]
    n_ch = b_per_w // CH
    gsems = sems[:NBUF]
    osems = sems[NBUF:]
    wid = lax.axis_index("s") * NC + lax.axis_index("c")
    base = wid * b_per_w
    pltpu.sync_copy(idx_hbm.at[pl.ds(base, b_per_w)], idx_v)

    def start_gather(c, b):
        pltpu.async_copy(
            table_hbm.at[idx_v.at[pl.ds(c * CH, CH)]], bufs.at[b], gsems[b]
        )

    def wait_gather(b):
        pltpu.make_async_copy(
            table_hbm.at[pl.ds(0, CH)], bufs.at[b], gsems[b]
        ).wait()

    def start_out(c, b):
        pltpu.async_copy(
            bufs.at[b], out_hbm.at[pl.ds(base + c * CH, CH)], osems[b]
        )

    def wait_out(b):
        pltpu.make_async_copy(
            bufs.at[b], out_hbm.at[pl.ds(0, CH)], osems[b]
        ).wait()

    for b in range(NBUF):
        start_gather(b, b)

    @pl.loop(0, (n_ch - NBUF) // NBUF)
    def _(g):
        c = g * NBUF
        for b in range(NBUF):
            wait_gather(b)
            start_out(c + b, b)
            wait_out(b)
            start_gather(c + b + NBUF, b)

    for b in range(NBUF):
        c = n_ch - NBUF + b
        wait_gather(b)
        start_out(c, b)
        wait_out(b)


@jax.jit
def _gather(idx, weight):
    n = idx.shape[0]
    b_per_w = n // NW
    mesh = plsc.VectorSubcoreMesh(core_axis_name="c", subcore_axis_name="s")
    f = pl.kernel(
        _emb_body,
        out_type=jax.ShapeDtypeStruct((n, D), jnp.float32),
        mesh=mesh,
        scratch_types=[
            pltpu.VMEM((b_per_w,), jnp.int32),
            pltpu.VMEM((NBUF, CH, D), jnp.float32),
        ] + [pltpu.SemaphoreType.DMA] * (2 * NBUF),
    )
    return f(idx, weight)


def kernel(positions, weight):
    idx = positions.reshape(-1)
    out = _gather(idx, weight)
    return out.reshape(positions.shape + (weight.shape[1],))

# --- scband reference (transcript-rebuilt; emitter-appended) ---
"""Pipeline reference for scband-positional-embedding-16604343566852 (READ-ONLY COPY).

The authoritative reference and input builder live on the scoring server;
editing this copy changes nothing except your own understanding.
"""

import jax, jax.numpy as jnp
import numpy as np

NUM_POSITIONS = 8192
EMBEDDING_DIM = 2048
BATCH = 4
SEQ_LEN = 8192


def setup_inputs(seed: int = 0) -> dict:
    key = jax.random.key(seed)
    k_idx, k_w = jax.random.split(key)
    positions = jax.random.randint(k_idx, (BATCH, SEQ_LEN), 0, NUM_POSITIONS, dtype=jnp.int32)
    # nn.Embedding default init: N(0, 1)
    weight = jax.random.normal(k_w, (NUM_POSITIONS, EMBEDDING_DIM), dtype=jnp.float32)
    return {"positions": positions, "weight": weight}


def reference(positions, weight):
    # nn.Embedding forward: row gather from the table
    return jnp.take(weight, positions, axis=0)

if __name__ == "__main__":
    import jax
    _d = setup_inputs()
    print(jax.jit(kernel)(*tuple(_d.values())))

</pallas_src>

<mosaic_0001>
#map = affine_map<(d0, d1) -> (0)>
#map1 = affine_map<(d0, d1) -> (0, 0)>
module attributes {stable_mosaic.version = 14 : i64} {
  func.func @_emb_body(%arg0: i32, %arg1: i32, %arg2: memref<32768xi32, #tpu.memory_space<hbm>>, %arg3: memref<8192x2048xf32, #tpu.memory_space<hbm>>, %arg4: memref<32768x2048xf32, #tpu.memory_space<hbm>>, %arg5: memref<1024xi32, #tpu.memory_space<vmem>>, %arg6: memref<4x8x2048xf32, #tpu.memory_space<vmem>>, %arg7: memref<!tpu.dma_semaphore, #tpu.memory_space<semaphore_mem>>, %arg8: memref<!tpu.dma_semaphore, #tpu.memory_space<semaphore_mem>>, %arg9: memref<!tpu.dma_semaphore, #tpu.memory_space<semaphore_mem>>, %arg10: memref<!tpu.dma_semaphore, #tpu.memory_space<semaphore_mem>>, %arg11: memref<!tpu.dma_semaphore, #tpu.memory_space<semaphore_mem>>, %arg12: memref<!tpu.dma_semaphore, #tpu.memory_space<semaphore_mem>>, %arg13: memref<!tpu.dma_semaphore, #tpu.memory_space<semaphore_mem>>, %arg14: memref<!tpu.dma_semaphore, #tpu.memory_space<semaphore_mem>>) attributes {dimension_semantics = [#tpu.dimension_semantics<core_parallel>, #tpu.dimension_semantics<subcore_parallel>], iteration_bounds = array<i64: 2, 16>, scalar_prefetch = 0 : i64, scratch_operands = 10 : i64, tpu.core_type = #tpu.core_type<sc_vector_subcore>, window_params = [{transform_indices = #map}, {transform_indices = #map1}, {transform_indices = #map1}]} {
    %mul3A = arith.constant 2 : i32
    %mul3A_0 = arith.muli %arg1, %mul3A : i32
    %add3A = arith.addi %mul3A_0, %arg0 : i32
    %mul3A_1 = arith.constant 1024 : i32
    %mul3A_2 = arith.muli %add3A, %mul3A_1 : i32
    "tpu.region"() ({
      %run_scoped3A = tpu.sem_alloc : memref<!tpu.dma_semaphore, #tpu.memory_space<semaphore_mem>>
      %dma_start3A_225 = tpu.memref_slice %arg2[%mul3A_2] : memref<32768xi32, #tpu.memory_space<hbm>> -> memref<1024xi32, #tpu.memory_space<hbm>>
      %dma_start3A_226 = tpu.memref_slice %arg2[%mul3A_2] : memref<32768xi32, #tpu.memory_space<hbm>> -> memref<1024xi32, #tpu.memory_space<hbm>>
      tpu.enqueue_dma source(%dma_start3A_226 : memref<1024xi32, #tpu.memory_space<hbm>>) target(%arg5 : memref<1024xi32, #tpu.memory_space<vmem>>) target_semaphore(%run_scoped3A : memref<!tpu.dma_semaphore, #tpu.memory_space<semaphore_mem>>)
      %dma_wait3A_227 = tpu.memref_slice %arg2[%mul3A_2] : memref<32768xi32, #tpu.memory_space<hbm>> -> memref<1024xi32, #tpu.memory_space<hbm>>
      %dma_wait3A_228 = tpu.memref_slice %arg2[%mul3A_2] : memref<32768xi32, #tpu.memory_space<hbm>> -> memref<1024xi32, #tpu.memory_space<hbm>>
      tpu.wait_dma2 semaphore(%run_scoped3A : memref<!tpu.dma_semaphore, #tpu.memory_space<semaphore_mem>>) src(%dma_wait3A_228 : memref<1024xi32, #tpu.memory_space<hbm>>) dst(%arg5 : memref<1024xi32, #tpu.memory_space<vmem>>)
      tpu.yield
    }) : () -> ()
    %dma_start3A = arith.constant 0 : i32
    %dma_start3A_3 = arith.constant 0 : i32
    %dma_start3A_4 = arith.constant 0 : i32
    %dma_start3A_5 = tpu.memref_slice %arg6[%dma_start3A, %dma_start3A_3, %dma_start3A_4] : memref<4x8x2048xf32, #tpu.memory_space<vmem>> -> memref<1x8x2048xf32, #tpu.memory_space<vmem>>
    %dma_start3A_6 = tpu.memref_squeeze %dma_start3A_5 : memref<1x8x2048xf32, #tpu.memory_space<vmem>> -> memref<8x2048xf32, #tpu.memory_space<vmem>>
    %dma_start3A_7 = arith.constant 0 : i32
    %dma_start3A_8 = tpu.memref_slice %arg5[%dma_start3A_7] : memref<1024xi32, #tpu.memory_space<vmem>> -> memref<8xi32, #tpu.memory_space<vmem>>
    %dma_start3A_9 = arith.constant 0 : i32
    %dma_start3A_10 = arith.constant 0 : i32
    %dma_start3A_11 = tpu.memref_slice %arg3[%dma_start3A_9, %dma_start3A_10] : memref<8192x2048xf32, #tpu.memory_space<hbm>> -> memref<8192x2048xf32, #tpu.memory_space<hbm>>
    tpu.enqueue_indirect_dma source(%dma_start3A_11 : memref<8192x2048xf32, #tpu.memory_space<hbm>>) target(%dma_start3A_6 : memref<8x2048xf32, #tpu.memory_space<vmem>>) offsets(%dma_start3A_8 : memref<8xi32, #tpu.memory_space<vmem>>) semaphore(%arg7 : memref<!tpu.dma_semaphore, #tpu.memory_space<semaphore_mem>>)
    %dma_start3A_12 = arith.constant 1 : i32
    %dma_start3A_13 = arith.constant 0 : i32
    %dma_start3A_14 = arith.constant 0 : i32
    %dma_start3A_15 = tpu.memref_slice %arg6[%dma_start3A_12, %dma_start3A_13, %dma_start3A_14] : memref<4x8x2048xf32, #tpu.memory_space<vmem>> -> memref<1x8x2048xf32, #tpu.memory_space<vmem>>
    %dma_start3A_16 = tpu.memref_squeeze %dma_start3A_15 : memref<1x8x2048xf32, #tpu.memory_space<vmem>> -> memref<8x2048xf32, #tpu.memory_space<vmem>>
    %dma_start3A_17 = arith.constant 8 : i32
    %dma_start3A_18 = tpu.memref_slice %arg5[%dma_start3A_17] : memref<1024xi32, #tpu.memory_space<vmem>> -> memref<8xi32, #tpu.memory_space<vmem>>
    %dma_start3A_19 = arith.constant 0 : i32
    %dma_start3A_20 = arith.constant 0 : i32
    %dma_start3A_21 = tpu.memref_slice %arg3[%dma_start3A_19, %dma_start3A_20] : memref<8192x2048xf32, #tpu.memory_space<hbm>> -> memref<8192x2048xf32, #tpu.memory_space<hbm>>
    tpu.enqueue_indirect_dma source(%dma_start3A_21 : memref<8192x2048xf32, #tpu.memory_space<hbm>>) target(%dma_start3A_16 : memref<8x2048xf32, #tpu.memory_space<vmem>>) offsets(%dma_start3A_18 : memref<8xi32, #tpu.memory_space<vmem>>) semaphore(%arg8 : memref<!tpu.dma_semaphore, #tpu.memory_space<semaphore_mem>>)
    %dma_start3A_22 = arith.constant 2 : i32
    %dma_start3A_23 = arith.constant 0 : i32
    %dma_start3A_24 = arith.constant 0 : i32
    %dma_start3A_25 = tpu.memref_slice %arg6[%dma_start3A_22, %dma_start3A_23, %dma_start3A_24] : memref<4x8x2048xf32, #tpu.memory_space<vmem>> -> memref<1x8x2048xf32, #tpu.memory_space<vmem>>
    %dma_start3A_26 = tpu.memref_squeeze %dma_start3A_25 : memref<1x8x2048xf32, #tpu.memory_space<vmem>> -> memref<8x2048xf32, #tpu.memory_space<vmem>>
    %dma_start3A_27 = arith.constant 16 : i32
    %dma_start3A_28 = tpu.memref_slice %arg5[%dma_start3A_27] : memref<1024xi32, #tpu.memory_space<vmem>> -> memref<8xi32, #tpu.memory_space<vmem>>
    %dma_start3A_29 = arith.constant 0 : i32
    %dma_start3A_30 = arith.constant 0 : i32
    %dma_start3A_31 = tpu.memref_slice %arg3[%dma_start3A_29, %dma_start3A_30] : memref<8192x2048xf32, #tpu.memory_space<hbm>> -> memref<8192x2048xf32, #tpu.memory_space<hbm>>
    tpu.enqueue_indirect_dma source(%dma_start3A_31 : memref<8192x2048xf32, #tpu.memory_space<hbm>>) target(%dma_start3A_26 : memref<8x2048xf32, #tpu.memory_space<vmem>>) offsets(%dma_start3A_28 : memref<8xi32, #tpu.memory_space<vmem>>) semaphore(%arg9 : memref<!tpu.dma_semaphore, #tpu.memory_space<semaphore_mem>>)
    %dma_start3A_32 = arith.constant 3 : i32
    %dma_start3A_33 = arith.constant 0 : i32
    %dma_start3A_34 = arith.constant 0 : i32
    %dma_start3A_35 = tpu.memref_slice %arg6[%dma_start3A_32, %dma_start3A_33, %dma_start3A_34] : memref<4x8x2048xf32, #tpu.memory_space<vmem>> -> memref<1x8x2048xf32, #tpu.memory_space<vmem>>
    %dma_start3A_36 = tpu.memref_squeeze %dma_start3A_35 : memref<1x8x2048xf32, #tpu.memory_space<vmem>> -> memref<8x2048xf32, #tpu.memory_space<vmem>>
    %dma_start3A_37 = arith.constant 24 : i32
    %dma_start3A_38 = tpu.memref_slice %arg5[%dma_start3A_37] : memref<1024xi32, #tpu.memory_space<vmem>> -> memref<8xi32, #tpu.memory_space<vmem>>
    %dma_start3A_39 = arith.constant 0 : i32
    %dma_start3A_40 = arith.constant 0 : i32
    %dma_start3A_41 = tpu.memref_slice %arg3[%dma_start3A_39, %dma_start3A_40] : memref<8192x2048xf32, #tpu.memory_space<hbm>> -> memref<8192x2048xf32, #tpu.memory_space<hbm>>
    tpu.enqueue_indirect_dma source(%dma_start3A_41 : memref<8192x2048xf32, #tpu.memory_space<hbm>>) target(%dma_start3A_36 : memref<8x2048xf32, #tpu.memory_space<vmem>>) offsets(%dma_start3A_38 : memref<8xi32, #tpu.memory_space<vmem>>) semaphore(%arg10 : memref<!tpu.dma_semaphore, #tpu.memory_space<semaphore_mem>>)
    %scan3A = arith.constant 0 : i32
    %scan3A_42 = arith.constant 31 : i32
    %scan3A_43 = arith.addi %scan3A, %scan3A_42 : i32
    %scan3A_44 = arith.constant 1 : i32
    scf.for %scan3A_225 = %scan3A to %scan3A_43 step %scan3A_44  : i32 {
      %mul3A_226 = arith.constant 1 : i32
      %mul3A_227 = arith.muli %scan3A_225, %mul3A_226 : i32
      %add3A_228 = arith.constant 0 : i32
      %add3A_229 = arith.addi %add3A_228, %mul3A_227 : i32
      %mul3A_230 = arith.constant 4 : i32
      %mul3A_231 = arith.muli %add3A_229, %mul3A_230 : i32
      %dma_wait3A_232 = arith.constant 0 : i32
      %dma_wait3A_233 = arith.constant 0 : i32
      %dma_wait3A_234 = arith.constant 0 : i32
      %dma_wait3A_235 = tpu.memref_slice %arg6[%dma_wait3A_232, %dma_wait3A_233, %dma_wait3A_234] : memref<4x8x2048xf32, #tpu.memory_space<vmem>> -> memref<1x8x2048xf32, #tpu.memory_space<vmem>>
      %dma_wait3A_236 = tpu.memref_squeeze %dma_wait3A_235 : memref<1x8x2048xf32, #tpu.memory_space<vmem>> -> memref<8x2048xf32, #tpu.memory_space<vmem>>
      %dma_wait3A_237 = arith.constant 0 : i32
      %dma_wait3A_238 = arith.constant 0 : i32
      %dma_wait3A_239 = tpu.memref_slice %arg3[%dma_wait3A_237, %dma_wait3A_238] : memref<8192x2048xf32, #tpu.memory_space<hbm>> -> memref<8x2048xf32, #tpu.memory_space<hbm>>
      %dma_wait3A_240 = arith.constant 0 : i32
      %dma_wait3A_241 = arith.constant 0 : i32
      %dma_wait3A_242 = tpu.memref_slice %arg6[%dma_wait3A_232, %dma_wait3A_240, %dma_wait3A_241] : memref<4x8x2048xf32, #tpu.memory_space<vmem>> -> memref<1x8x2048xf32, #tpu.memory_space<vmem>>
      %dma_wait3A_243 = tpu.memref_squeeze %dma_wait3A_242 : memref<1x8x2048xf32, #tpu.memory_space<vmem>> -> memref<8x2048xf32, #tpu.memory_space<vmem>>
      %dma_wait3A_244 = arith.constant 0 : i32
      %dma_wait3A_245 = arith.constant 0 : i32
      %dma_wait3A_246 = tpu.memref_slice %arg3[%dma_wait3A_244, %dma_wait3A_245] : memref<8192x2048xf32, #tpu.memory_space<hbm>> -> memref<8x2048xf32, #tpu.memory_space<hbm>>
      tpu.wait_dma2 semaphore(%arg7 : memref<!tpu.dma_semaphore, #tpu.memory_space<semaphore_mem>>) src(%dma_wait3A_246 : memref<8x2048xf32, #tpu.memory_space<hbm>>) dst(%dma_wait3A_243 : memref<8x2048xf32, #tpu.memory_space<vmem>>)
      %add3A_247 = arith.constant 0 : i32
      %add3A_248 = arith.addi %mul3A_231, %add3A_247 : i32
      %mul3A_249 = arith.constant 8 : i32
      %mul3A_250 = arith.muli %add3A_248, %mul3A_249 : i32
      %add3A_251 = arith.addi %mul3A_2, %mul3A_250 : i32
      %dma_start3A_252 = arith.constant 0 : i32
      %dma_start3A_253 = arith.constant 0 : i32
      %dma_start3A_254 = arith.constant 0 : i32
      %dma_start3A_255 = tpu.memref_slice %arg6[%dma_start3A_252, %dma_start3A_253, %dma_start3A_254] : memref<4x8x2048xf32, #tpu.memory_space<vmem>> -> memref<1x8x2048xf32, #tpu.memory_space<vmem>>
      %dma_start3A_256 = tpu.memref_squeeze %dma_start3A_255 : memref<1x8x2048xf32, #tpu.memory_space<vmem>> -> memref<8x2048xf32, #tpu.memory_space<vmem>>
      %dma_start3A_257 = arith.constant 0 : i32
      %dma_start3A_258 = tpu.memref_slice %arg4[%add3A_251, %dma_start3A_257] : memref<32768x2048xf32, #tpu.memory_space<hbm>> -> memref<8x2048xf32, #tpu.memory_space<hbm>>
      %dma_start3A_259 = arith.constant 0 : i32
      %dma_start3A_260 = tpu.memref_slice %arg4[%add3A_251, %dma_start3A_259] : memref<32768x2048xf32, #tpu.memory_space<hbm>> -> memref<8x2048xf32, #tpu.memory_space<hbm>>
      %dma_start3A_261 = arith.constant 0 : i32
      %dma_start3A_262 = arith.constant 0 : i32
      %dma_start3A_263 = tpu.memref_slice %arg6[%dma_start3A_252, %dma_start3A_261, %dma_start3A_262] : memref<4x8x2048xf32, #tpu.memory_space<vmem>> -> memref<1x8x2048xf32, #tpu.memory_space<vmem>>
      %dma_start3A_264 = tpu.memref_squeeze %dma_start3A_263 : memref<1x8x2048xf32, #tpu.memory_space<vmem>> -> memref<8x2048xf32, #tpu.memory_space<vmem>>
      tpu.enqueue_dma source(%dma_start3A_264 : memref<8x2048xf32, #tpu.memory_space<vmem>>) target(%dma_start3A_260 : memref<8x2048xf32, #tpu.memory_space<hbm>>) target_semaphore(%arg11 : memref<!tpu.dma_semaphore, #tpu.memory_space<semaphore_mem>>)
      %dma_wait3A_265 = arith.constant 0 : i32
      %dma_wait3A_266 = arith.constant 0 : i32
      %dma_wait3A_267 = arith.constant 0 : i32
      %dma_wait3A_268 = tpu.memref_slice %arg6[%dma_wait3A_265, %dma_wait3A_266, %dma_wait3A_267] : memref<4x8x2048xf32, #tpu.memory_space<vmem>> -> memref<1x8x2048xf32, #tpu.memory_space<vmem>>
      %dma_wait3A_269 = tpu.memref_squeeze %dma_wait3A_268 : memref<1x8x2048xf32, #tpu.memory_space<vmem>> -> memref<8x2048xf32, #tpu.memory_space<vmem>>
      %dma_wait3A_270 = arith.constant 0 : i32
      %dma_wait3A_271 = arith.constant 0 : i32
      %dma_wait3A_272 = tpu.memref_slice %arg4[%dma_wait3A_270, %dma_wait3A_271] : memref<32768x2048xf32, #tpu.memory_space<hbm>> -> memref<8x2048xf32, #tpu.memory_space<hbm>>
      %dma_wait3A_273 = arith.constant 0 : i32
      %dma_wait3A_274 = arith.constant 0 : i32
      %dma_wait3A_275 = tpu.memref_slice %arg4[%dma_wait3A_273, %dma_wait3A_274] : memref<32768x2048xf32, #tpu.memory_space<hbm>> -> memref<8x2048xf32, #tpu.memory_space<hbm>>
      %dma_wait3A_276 = arith.constant 0 : i32
      %dma_wait3A_277 = arith.constant 0 : i32
      %dma_wait3A_278 = tpu.memref_slice %arg6[%dma_wait3A_265, %dma_wait3A_276, %dma_wait3A_277] : memref<4x8x2048xf32, #tpu.memory_space<vmem>> -> memref<1x8x2048xf32, #tpu.memory_space<vmem>>
      %dma_wait3A_279 = tpu.memref_squeeze %dma_wait3A_278 : memref<1x8x2048xf32, #tpu.memory_space<vmem>> -> memref<8x2048xf32, #tpu.memory_space<vmem>>
      tpu.wait_dma2 semaphore(%arg11 : memref<!tpu.dma_semaphore, #tpu.memory_space<semaphore_mem>>) src(%dma_wait3A_279 : memref<8x2048xf32, #tpu.memory_space<vmem>>) dst(%dma_wait3A_275 : memref<8x2048xf32, #tpu.memory_space<hbm>>)
      %add3A_280 = arith.constant 0 : i32
      %add3A_281 = arith.addi %mul3A_231, %add3A_280 : i32
      %add3A_282 = arith.constant 4 : i32
      %add3A_283 = arith.addi %add3A_281, %add3A_282 : i32
      %mul3A_284 = arith.constant 8 : i32
      %mul3A_285 = arith.muli %add3A_283, %mul3A_284 : i32
      %dma_start3A_286 = arith.constant 0 : i32
      %dma_start3A_287 = arith.constant 0 : i32
      %dma_start3A_288 = arith.constant 0 : i32
      %dma_start3A_289 = tpu.memref_slice %arg6[%dma_start3A_286, %dma_start3A_287, %dma_start3A_288] : memref<4x8x2048xf32, #tpu.memory_space<vmem>> -> memref<1x8x2048xf32, #tpu.memory_space<vmem>>
      %dma_start3A_290 = tpu.memref_squeeze %dma_start3A_289 : memref<1x8x2048xf32, #tpu.memory_space<vmem>> -> memref<8x2048xf32, #tpu.memory_space<vmem>>
      %dma_start3A_291 = tpu.memref_slice %arg5[%mul3A_285] : memref<1024xi32, #tpu.memory_space<vmem>> -> memref<8xi32, #tpu.memory_space<vmem>>
      %dma_start3A_292 = arith.constant 0 : i32
      %dma_start3A_293 = arith.constant 0 : i32
      %dma_start3A_294 = tpu.memref_slice %arg3[%dma_start3A_292, %dma_start3A_293] : memref<8192x2048xf32, #tpu.memory_space<hbm>> -> memref<8192x2048xf32, #tpu.memory_space<hbm>>
      tpu.enqueue_indirect_dma source(%dma_start3A_294 : memref<8192x2048xf32, #tpu.memory_space<hbm>>) target(%dma_start3A_290 : memref<8x2048xf32, #tpu.memory_space<vmem>>) offsets(%dma_start3A_291 : memref<8xi32, #tpu.memory_space<vmem>>) semaphore(%arg7 : memref<!tpu.dma_semaphore, #tpu.memory_space<semaphore_mem>>)
      %dma_wait3A_295 = arith.constant 1 : i32
      %dma_wait3A_296 = arith.constant 0 : i32
      %dma_wait3A_297 = arith.constant 0 : i32
      %dma_wait3A_298 = tpu.memref_slice %arg6[%dma_wait3A_295, %dma_wait3A_296, %dma_wait3A_297] : memref<4x8x2048xf32, #tpu.memory_space<vmem>> -> memref<1x8x2048xf32, #tpu.memory_space<vmem>>
      %dma_wait3A_299 = tpu.memref_squeeze %dma_wait3A_298 : memref<1x8x2048xf32, #tpu.memory_space<vmem>> -> memref<8x2048xf32, #tpu.memory_space<vmem>>
      %dma_wait3A_300 = arith.constant 0 : i32
      %dma_wait3A_301 = arith.constant 0 : i32
      %dma_wait3A_302 = tpu.memref_slice %arg3[%dma_wait3A_300, %dma_wait3A_301] : memref<8192x2048xf32, #tpu.memory_space<hbm>> -> memref<8x2048xf32, #tpu.memory_space<hbm>>
      %dma_wait3A_303 = arith.constant 0 : i32
      %dma_wait3A_304 = arith.constant 0 : i32
      %dma_wait3A_305 = tpu.memref_slice %arg6[%dma_wait3A_295, %dma_wait3A_303, %dma_wait3A_304] : memref<4x8x2048xf32, #tpu.memory_space<vmem>> -> memref<1x8x2048xf32, #tpu.memory_space<vmem>>
      %dma_wait3A_306 = tpu.memref_squeeze %dma_wait3A_305 : memref<1x8x2048xf32, #tpu.memory_space<vmem>> -> memref<8x2048xf32, #tpu.memory_space<vmem>>
      %dma_wait3A_307 = arith.constant 0 : i32
      %dma_wait3A_308 = arith.constant 0 : i32
      %dma_wait3A_309 = tpu.memref_slice %arg3[%dma_wait3A_307, %dma_wait3A_308] : memref<8192x2048xf32, #tpu.memory_space<hbm>> -> memref<8x2048xf32, #tpu.memory_space<hbm>>
      tpu.wait_dma2 semaphore(%arg8 : memref<!tpu.dma_semaphore, #tpu.memory_space<semaphore_mem>>) src(%dma_wait3A_309 : memref<8x2048xf32, #tpu.memory_space<hbm>>) dst(%dma_wait3A_306 : memref<8x2048xf32, #tpu.memory_space<vmem>>)
      %add3A_310 = arith.constant 1 : i32
      %add3A_311 = arith.addi %mul3A_231, %add3A_310 : i32
      %mul3A_312 = arith.constant 8 : i32
      %mul3A_313 = arith.muli %add3A_311, %mul3A_312 : i32
      %add3A_314 = arith.addi %mul3A_2, %mul3A_313 : i32
      %dma_start3A_315 = arith.constant 1 : i32
      %dma_start3A_316 = arith.constant 0 : i32
      %dma_start3A_317 = arith.constant 0 : i32
      %dma_start3A_318 = tpu.memref_slice %arg6[%dma_start3A_315, %dma_start3A_316, %dma_start3A_317] : memref<4x8x2048xf32, #tpu.memory_space<vmem>> -> memref<1x8x2048xf32, #tpu.memory_space<vmem>>
      %dma_start3A_319 = tpu.memref_squeeze %dma_start3A_318 : memref<1x8x2048xf32, #tpu.memory_space<vmem>> -> memref<8x2048xf32, #tpu.memory_space<vmem>>
      %dma_start3A_320 = arith.constant 0 : i32
      %dma_start3A_321 = tpu.memref_slice %arg4[%add3A_314, %dma_start3A_320] : memref<32768x2048xf32, #tpu.memory_space<hbm>> -> memref<8x2048xf32, #tpu.memory_space<hbm>>
      %dma_start3A_322 = arith.constant 0 : i32
      %dma_start3A_323 = tpu.memref_slice %arg4[%add3A_314, %dma_start3A_322] : memref<32768x2048xf32, #tpu.memory_space<hbm>> -> memref<8x2048xf32, #tpu.memory_space<hbm>>
      %dma_start3A_324 = arith.constant 0 : i32
      %dma_start3A_325 = arith.constant 0 : i32
      %dma_start3A_326 = tpu.memref_slice %arg6[%dma_start3A_315, %dma_start3A_324, %dma_start3A_325] : memref<4x8x2048xf32, #tpu.memory_space<vmem>> -> memref<1x8x2048xf32, #tpu.memory_space<vmem>>
      %dma_start3A_327 = tpu.memref_squeeze %dma_start3A_326 : memref<1x8x2048xf32, #tpu.memory_space<vmem>> -> memref<8x2048xf32, #tpu.memory_space<vmem>>
      tpu.enqueue_dma source(%dma_start3A_327 : memref<8x2048xf32, #tpu.memory_space<vmem>>) target(%dma_start3A_323 : memref<8x2048xf32, #tpu.memory_space<hbm>>) target_semaphore(%arg12 : memref<!tpu.dma_semaphore, #tpu.memory_space<semaphore_mem>>)
      %dma_wait3A_328 = arith.constant 1 : i32
      %dma_wait3A_329 = arith.constant 0 : i32
      %dma_wait3A_330 = arith.constant 0 : i32
      %dma_wait3A_331 = tpu.memref_slice %arg6[%dma_wait3A_328, %dma_wait3A_329, %dma_wait3A_330] : memref<4x8x2048xf32, #tpu.memory_space<vmem>> -> memref<1x8x2048xf32, #tpu.memory_space<vmem>>
      %dma_wait3A_332 = tpu.memref_squeeze %dma_wait3A_331 : memref<1x8x2048xf32, #tpu.memory_space<vmem>> -> memref<8x2048xf32, #tpu.memory_space<vmem>>
      %dma_wait3A_333 = arith.constant 0 : i32
      %dma_wait3A_334 = arith.constant 0 : i32
      %dma_wait3A_335 = tpu.memref_slice %arg4[%dma_wait3A_333, %dma_wait3A_334] : memref<32768x2048xf32, #tpu.memory_space<hbm>> -> memref<8x2048xf32, #tpu.memory_space<hbm>>
      %dma_wait3A_336 = arith.constant 0 : i32
      %dma_wait3A_337 = arith.constant 0 : i32
      %dma_wait3A_338 = tpu.memref_slice %arg4[%dma_wait3A_336, %dma_wait3A_337] : memref<32768x2048xf32, #tpu.memory_space<hbm>> -> memref<8x2048xf32, #tpu.memory_space<hbm>>
      %dma_wait3A_339 = arith.constant 0 : i32
      %dma_wait3A_340 = arith.constant 0 : i32
      %dma_wait3A_341 = tpu.memref_slice %arg6[%dma_wait3A_328, %dma_wait3A_339, %dma_wait3A_340] : memref<4x8x2048xf32, #tpu.memory_space<vmem>> -> memref<1x8x2048xf32, #tpu.memory_space<vmem>>
      %dma_wait3A_342 = tpu.memref_squeeze %dma_wait3A_341 : memref<1x8x2048xf32, #tpu.memory_space<vmem>> -> memref<8x2048xf32, #tpu.memory_space<vmem>>
      tpu.wait_dma2 semaphore(%arg12 : memref<!tpu.dma_semaphore, #tpu.memory_space<semaphore_mem>>) src(%dma_wait3A_342 : memref<8x2048xf32, #tpu.memory_space<vmem>>) dst(%dma_wait3A_338 : memref<8x2048xf32, #tpu.memory_space<hbm>>)
      %add3A_343 = arith.constant 1 : i32
      %add3A_344 = arith.addi %mul3A_231, %add3A_343 : i32
      %add3A_345 = arith.constant 4 : i32
      %add3A_346 = arith.addi %add3A_344, %add3A_345 : i32
      %mul3A_347 = arith.constant 8 : i32
      %mul3A_348 = arith.muli %add3A_346, %mul3A_347 : i32
      %dma_start3A_349 = arith.constant 1 : i32
      %dma_start3A_350 = arith.constant 0 : i32
      %dma_start3A_351 = arith.constant 0 : i32
      %dma_start3A_352 = tpu.memref_slice %arg6[%dma_start3A_349, %dma_start3A_350, %dma_start3A_351] : memref<4x8x2048xf32, #tpu.memory_space<vmem>> -> memref<1x8x2048xf32, #tpu.memory_space<vmem>>
      %dma_start3A_353 = tpu.memref_squeeze %dma_start3A_352 : memref<1x8x2048xf32, #tpu.memory_space<vmem>> -> memref<8x2048xf32, #tpu.memory_space<vmem>>
      %dma_start3A_354 = tpu.memref_slice %arg5[%mul3A_348] : memref<1024xi32, #tpu.memory_space<vmem>> -> memref<8xi32, #tpu.memory_space<vmem>>
      %dma_start3A_355 = arith.constant 0 : i32
      %dma_start3A_356 = arith.constant 0 : i32
      %dma_start3A_357 = tpu.memref_slice %arg3[%dma_start3A_355, %dma_start3A_356] : memref<8192x2048xf32, #tpu.memory_space<hbm>> -> memref<8192x2048xf32, #tpu.memory_space<hbm>>
      tpu.enqueue_indirect_dma source(%dma_start3A_357 : memref<8192x2048xf32, #tpu.memory_space<hbm>>) target(%dma_start3A_353 : memref<8x2048xf32, #tpu.memory_space<vmem>>) offsets(%dma_start3A_354 : memref<8xi32, #tpu.memory_space<vmem>>) semaphore(%arg8 : memref<!tpu.dma_semaphore, #tpu.memory_space<semaphore_mem>>)
      %dma_wait3A_358 = arith.constant 2 : i32
      %dma_wait3A_359 = arith.constant 0 : i32
      %dma_wait3A_360 = arith.constant 0 : i32
      %dma_wait3A_361 = tpu.memref_slice %arg6[%dma_wait3A_358, %dma_wait3A_359, %dma_wait3A_360] : memref<4x8x2048xf32, #tpu.memory_space<vmem>> -> memref<1x8x2048xf32, #tpu.memory_space<vmem>>
      %dma_wait3A_362 = tpu.memref_squeeze %dma_wait3A_361 : memref<1x8x2048xf32, #tpu.memory_space<vmem>> -> memref<8x2048xf32, #tpu.memory_space<vmem>>
      %dma_wait3A_363 = arith.constant 0 : i32
      %dma_wait3A_364 = arith.constant 0 : i32
      %dma_wait3A_365 = tpu.memref_slice %arg3[%dma_wait3A_363, %dma_wait3A_364] : memref<8192x2048xf32, #tpu.memory_space<hbm>> -> memref<8x2048xf32, #tpu.memory_space<hbm>>
      %dma_wait3A_366 = arith.constant 0 : i32
      %dma_wait3A_367 = arith.constant 0 : i32
      %dma_wait3A_368 = tpu.memref_slice %arg6[%dma_wait3A_358, %dma_wait3A_366, %dma_wait3A_367] : memref<4x8x2048xf32, #tpu.memory_space<vmem>> -> memref<1x8x2048xf32, #tpu.memory_space<vmem>>
      %dma_wait3A_369 = tpu.memref_squeeze %dma_wait3A_368 : memref<1x8x2048xf32, #tpu.memory_space<vmem>> -> memref<8x2048xf32, #tpu.memory_space<vmem>>
      %dma_wait3A_370 = arith.constant 0 : i32
      %dma_wait3A_371 = arith.constant 0 : i32
      %dma_wait3A_372 = tpu.memref_slice %arg3[%dma_wait3A_370, %dma_wait3A_371] : memref<8192x2048xf32, #tpu.memory_space<hbm>> -> memref<8x2048xf32, #tpu.memory_space<hbm>>
      tpu.wait_dma2 semaphore(%arg9 : memref<!tpu.dma_semaphore, #tpu.memory_space<semaphore_mem>>) src(%dma_wait3A_372 : memref<8x2048xf32, #tpu.memory_space<hbm>>) dst(%dma_wait3A_369 : memref<8x2048xf32, #tpu.memory_space<vmem>>)
      %add3A_373 = arith.constant 2 : i32
      %add3A_374 = arith.addi %mul3A_231, %add3A_373 : i32
      %mul3A_375 = arith.constant 8 : i32
      %mul3A_376 = arith.muli %add3A_374, %mul3A_375 : i32
      %add3A_377 = arith.addi %mul3A_2, %mul3A_376 : i32
      %dma_start3A_378 = arith.constant 2 : i32
      %dma_start3A_379 = arith.constant 0 : i32
      %dma_start3A_380 = arith.constant 0 : i32
      %dma_start3A_381 = tpu.memref_slice %arg6[%dma_start3A_378, %dma_start3A_379, %dma_start3A_380] : memref<4x8x2048xf32, #tpu.memory_space<vmem>> -> memref<1x8x2048xf32, #tpu.memory_space<vmem>>
      %dma_start3A_382 = tpu.memref_squeeze %dma_start3A_381 : memref<1x8x2048xf32, #tpu.memory_space<vmem>> -> memref<8x2048xf32, #tpu.memory_space<vmem>>
      %dma_start3A_383 = arith.constant 0 : i32
      %dma_start3A_384 = tpu.memref_slice %arg4[%add3A_377, %dma_start3A_383] : memref<32768x2048xf32, #tpu.memory_space<hbm>> -> memref<8x2048xf32, #tpu.memory_space<hbm>>
      %dma_start3A_385 = arith.constant 0 : i32
      %dma_start3A_386 = tpu.memref_slice %arg4[%add3A_377, %dma_start3A_385] : memref<32768x2048xf32, #tpu.memory_space<hbm>> -> memref<8x2048xf32, #tpu.memory_space<hbm>>
      %dma_start3A_387 = arith.constant 0 : i32
      %dma_start3A_388 = arith.constant 0 : i32
      %dma_start3A_389 = tpu.memref_slice %arg6[%dma_start3A_378, %dma_start3A_387, %dma_start3A_388] : memref<4x8x2048xf32, #tpu.memory_space<vmem>> -> memref<1x8x2048xf32, #tpu.memory_space<vmem>>
      %dma_start3A_390 = tpu.memref_squeeze %dma_start3A_389 : memref<1x8x2048xf32, #tpu.memory_space<vmem>> -> memref<8x2048xf32, #tpu.memory_space<vmem>>
      tpu.enqueue_dma source(%dma_start3A_390 : memref<8x2048xf32, #tpu.memory_space<vmem>>) target(%dma_start3A_386 : memref<8x2048xf32, #tpu.memory_space<hbm>>) target_semaphore(%arg13 : memref<!tpu.dma_semaphore, #tpu.memory_space<semaphore_mem>>)
      %dma_wait3A_391 = arith.constant 2 : i32
      %dma_wait3A_392 = arith.constant 0 : i32
      %dma_wait3A_393 = arith.constant 0 : i32
      %dma_wait3A_394 = tpu.memref_slice %arg6[%dma_wait3A_391, %dma_wait3A_392, %dma_wait3A_393] : memref<4x8x2048xf32, #tpu.memory_space<vmem>> -> memref<1x8x2048xf32, #tpu.memory_space<vmem>>
      %dma_wait3A_395 = tpu.memref_squeeze %dma_wait3A_394 : memref<1x8x2048xf32, #tpu.memory_space<vmem>> -> memref<8x2048xf32, #tpu.memory_space<vmem>>
      %dma_wait3A_396 = arith.constant 0 : i32
      %dma_wait3A_397 = arith.constant 0 : i32
      %dma_wait3A_398 = tpu.memref_slice %arg4[%dma_wait3A_396, %dma_wait3A_397] : memref<32768x2048xf32, #tpu.memory_space<hbm>> -> memref<8x2048xf32, #tpu.memory_space<hbm>>
      %dma_wait3A_399 = arith.constant 0 : i32
      %dma_wait3A_400 = arith.constant 0 : i32
      %dma_wait3A_401 = tpu.memref_slice %arg4[%dma_wait3A_399, %dma_wait3A_400] : memref<32768x2048xf32, #tpu.memory_space<hbm>> -> memref<8x2048xf32, #tpu.memory_space<hbm>>
      %dma_wait3A_402 = arith.constant 0 : i32
      %dma_wait3A_403 = arith.constant 0 : i32
      %dma_wait3A_404 = tpu.memref_slice %arg6[%dma_wait3A_391, %dma_wait3A_402, %dma_wait3A_403] : memref<4x8x2048xf32, #tpu.memory_space<vmem>> -> memref<1x8x2048xf32, #tpu.memory_space<vmem>>
      %dma_wait3A_405 = tpu.memref_squeeze %dma_wait3A_404 : memref<1x8x2048xf32, #tpu.memory_space<vmem>> -> memref<8x2048xf32, #tpu.memory_space<vmem>>
      tpu.wait_dma2 semaphore(%arg13 : memref<!tpu.dma_semaphore, #tpu.memory_space<semaphore_mem>>) src(%dma_wait3A_405 : memref<8x2048xf32, #tpu.memory_space<vmem>>) dst(%dma_wait3A_401 : memref<8x2048xf32, #tpu.memory_space<hbm>>)
      %add3A_406 = arith.constant 2 : i32
      %add3A_407 = arith.addi %mul3A_231, %add3A_406 : i32
      %add3A_408 = arith.constant 4 : i32
      %add3A_409 = arith.addi %add3A_407, %add3A_408 : i32
      %mul3A_410 = arith.constant 8 : i32
      %mul3A_411 = arith.muli %add3A_409, %mul3A_410 : i32
      %dma_start3A_412 = arith.constant 2 : i32
      %dma_start3A_413 = arith.constant 0 : i32
      %dma_start3A_414 = arith.constant 0 : i32
      %dma_start3A_415 = tpu.memref_slice %arg6[%dma_start3A_412, %dma_start3A_413, %dma_start3A_414] : memref<4x8x2048xf32, #tpu.memory_space<vmem>> -> memref<1x8x2048xf32, #tpu.memory_space<vmem>>
      %dma_start3A_416 = tpu.memref_squeeze %dma_start3A_415 : memref<1x8x2048xf32, #tpu.memory_space<vmem>> -> memref<8x2048xf32, #tpu.memory_space<vmem>>
      %dma_start3A_417 = tpu.memref_slice %arg5[%mul3A_411] : memref<1024xi32, #tpu.memory_space<vmem>> -> memref<8xi32, #tpu.memory_space<vmem>>
      %dma_start3A_418 = arith.constant 0 : i32
      %dma_start3A_419 = arith.constant 0 : i32
      %dma_start3A_420 = tpu.memref_slice %arg3[%dma_start3A_418, %dma_start3A_419] : memref<8192x2048xf32, #tpu.memory_space<hbm>> -> memref<8192x2048xf32, #tpu.memory_space<hbm>>
      tpu.enqueue_indirect_dma source(%dma_start3A_420 : memref<8192x2048xf32, #tpu.memory_space<hbm>>) target(%dma_start3A_416 : memref<8x2048xf32, #tpu.memory_space<vmem>>) offsets(%dma_start3A_417 : memref<8xi32, #tpu.memory_space<vmem>>) semaphore(%arg9 : memref<!tpu.dma_semaphore, #tpu.memory_space<semaphore_mem>>)
      %dma_wait3A_421 = arith.constant 3 : i32
      %dma_wait3A_422 = arith.constant 0 : i32
      %dma_wait3A_423 = arith.constant 0 : i32
      %dma_wait3A_424 = tpu.memref_slice %arg6[%dma_wait3A_421, %dma_wait3A_422, %dma_wait3A_423] : memref<4x8x2048xf32, #tpu.memory_space<vmem>> -> memref<1x8x2048xf32, #tpu.memory_space<vmem>>
      %dma_wait3A_425 = tpu.memref_squeeze %dma_wait3A_424 : memref<1x8x2048xf32, #tpu.memory_space<vmem>> -> memref<8x2048xf32, #tpu.memory_space<vmem>>
      %dma_wait3A_426 = arith.constant 0 : i32
      %dma_wait3A_427 = arith.constant 0 : i32
      %dma_wait3A_428 = tpu.memref_slice %arg3[%dma_wait3A_426, %dma_wait3A_427] : memref<8192x2048xf32, #tpu.memory_space<hbm>> -> memref<8x2048xf32, #tpu.memory_space<hbm>>
      %dma_wait3A_429 = arith.constant 0 : i32
      %dma_wait3A_430 = arith.constant 0 : i32
      %dma_wait3A_431 = tpu.memref_slice %arg6[%dma_wait3A_421, %dma_wait3A_429, %dma_wait3A_430] : memref<4x8x2048xf32, #tpu.memory_space<vmem>> -> memref<1x8x2048xf32, #tpu.memory_space<vmem>>
      %dma_wait3A_432 = tpu.memref_squeeze %dma_wait3A_431 : memref<1x8x2048xf32, #tpu.memory_space<vmem>> -> memref<8x2048xf32, #tpu.memory_space<vmem>>
      %dma_wait3A_433 = arith.constant 0 : i32
      %dma_wait3A_434 = arith.constant 0 : i32
      %dma_wait3A_435 = tpu.memref_slice %arg3[%dma_wait3A_433, %dma_wait3A_434] : memref<8192x2048xf32, #tpu.memory_space<hbm>> -> memref<8x2048xf32, #tpu.memory_space<hbm>>
      tpu.wait_dma2 semaphore(%arg10 : memref<!tpu.dma_semaphore, #tpu.memory_space<semaphore_mem>>) src(%dma_wait3A_435 : memref<8x2048xf32, #tpu.memory_space<hbm>>) dst(%dma_wait3A_432 : memref<8x2048xf32, #tpu.memory_space<vmem>>)
      %add3A_436 = arith.constant 3 : i32
      %add3A_437 = arith.addi %mul3A_231, %add3A_436 : i32
      %mul3A_438 = arith.constant 8 : i32
      %mul3A_439 = arith.muli %add3A_437, %mul3A_438 : i32
      %add3A_440 = arith.addi %mul3A_2, %mul3A_439 : i32
      %dma_start3A_441 = arith.constant 3 : i32
      %dma_start3A_442 = arith.constant 0 : i32
      %dma_start3A_443 = arith.constant 0 : i32
      %dma_start3A_444 = tpu.memref_slice %arg6[%dma_start3A_441, %dma_start3A_442, %dma_start3A_443] : memref<4x8x2048xf32, #tpu.memory_space<vmem>> -> memref<1x8x2048xf32, #tpu.memory_space<vmem>>
      %dma_start3A_445 = tpu.memref_squeeze %dma_start3A_444 : memref<1x8x2048xf32, #tpu.memory_space<vmem>> -> memref<8x2048xf32, #tpu.memory_space<vmem>>
      %dma_start3A_446 = arith.constant 0 : i32
      %dma_start3A_447 = tpu.memref_slice %arg4[%add3A_440, %dma_start3A_446] : memref<32768x2048xf32, #tpu.memory_space<hbm>> -> memref<8x2048xf32, #tpu.memory_space<hbm>>
      %dma_start3A_448 = arith.constant 0 : i32
      %dma_start3A_449 = tpu.memref_slice %arg4[%add3A_440, %dma_start3A_448] : memref<32768x2048xf32, #tpu.memory_space<hbm>> -> memref<8x2048xf32, #tpu.memory_space<hbm>>
      %dma_start3A_450 = arith.constant 0 : i32
      %dma_start3A_451 = arith.constant 0 : i32
      %dma_start3A_452 = tpu.memref_slice %arg6[%dma_start3A_441, %dma_start3A_450, %dma_start3A_451] : memref<4x8x2048xf32, #tpu.memory_space<vmem>> -> memref<1x8x2048xf32, #tpu.memory_space<vmem>>
      %dma_start3A_453 = tpu.memref_squeeze %dma_start3A_452 : memref<1x8x2048xf32, #tpu.memory_space<vmem>> -> memref<8x2048xf32, #tpu.memory_space<vmem>>
      tpu.enqueue_dma source(%dma_start3A_453 : memref<8x2048xf32, #tpu.memory_space<vmem>>) target(%dma_start3A_449 : memref<8x2048xf32, #tpu.memory_space<hbm>>) target_semaphore(%arg14 : memref<!tpu.dma_semaphore, #tpu.memory_space<semaphore_mem>>)
      %dma_wait3A_454 = arith.constant 3 : i32
      %dma_wait3A_455 = arith.constant 0 : i32
      %dma_wait3A_456 = arith.constant 0 : i32
      %dma_wait3A_457 = tpu.memref_slice %arg6[%dma_wait3A_454, %dma_wait3A_455, %dma_wait3A_456] : memref<4x8x2048xf32, #tpu.memory_space<vmem>> -> memref<1x8x2048xf32, #tpu.memory_space<vmem>>
      %dma_wait3A_458 = tpu.memref_squeeze %dma_wait3A_457 : memref<1x8x2048xf32, #tpu.memory_space<vmem>> -> memref<8x2048xf32, #tpu.memory_space<vmem>>
      %dma_wait3A_459 = arith.constant 0 : i32
      %dma_wait3A_460 = arith.constant 0 : i32
      %dma_wait3A_461 = tpu.memref_slice %arg4[%dma_wait3A_459, %dma_wait3A_460] : memref<32768x2048xf32, #tpu.memory_space<hbm>> -> memref<8x2048xf32, #tpu.memory_space<hbm>>
      %dma_wait3A_462 = arith.constant 0 : i32
      %dma_wait3A_463 = arith.constant 0 : i32
      %dma_wait3A_464 = tpu.memref_slice %arg4[%dma_wait3A_462, %dma_wait3A_463] : memref<32768x2048xf32, #tpu.memory_space<hbm>> -> memref<8x2048xf32, #tpu.memory_space<hbm>>
      %dma_wait3A_465 = arith.constant 0 : i32
      %dma_wait3A_466 = arith.constant 0 : i32
      %dma_wait3A_467 = tpu.memref_slice %arg6[%dma_wait3A_454, %dma_wait3A_465, %dma_wait3A_466] : memref<4x8x2048xf32, #tpu.memory_space<vmem>> -> memref<1x8x2048xf32, #tpu.memory_space<vmem>>
      %dma_wait3A_468 = tpu.memref_squeeze %dma_wait3A_467 : memref<1x8x2048xf32, #tpu.memory_space<vmem>> -> memref<8x2048xf32, #tpu.memory_space<vmem>>
      tpu.wait_dma2 semaphore(%arg14 : memref<!tpu.dma_semaphore, #tpu.memory_space<semaphore_mem>>) src(%dma_wait3A_468 : memref<8x2048xf32, #tpu.memory_space<vmem>>) dst(%dma_wait3A_464 : memref<8x2048xf32, #tpu.memory_space<hbm>>)
      %add3A_469 = arith.constant 3 : i32
      %add3A_470 = arith.addi %mul3A_231, %add3A_469 : i32
      %add3A_471 = arith.constant 4 : i32
      %add3A_472 = arith.addi %add3A_470, %add3A_471 : i32
      %mul3A_473 = arith.constant 8 : i32
      %mul3A_474 = arith.muli %add3A_472, %mul3A_473 : i32
      %dma_start3A_475 = arith.constant 3 : i32
      %dma_start3A_476 = arith.constant 0 : i32
      %dma_start3A_477 = arith.constant 0 : i32
      %dma_start3A_478 = tpu.memref_slice %arg6[%dma_start3A_475, %dma_start3A_476, %dma_start3A_477] : memref<4x8x2048xf32, #tpu.memory_space<vmem>> -> memref<1x8x2048xf32, #tpu.memory_space<vmem>>
      %dma_start3A_479 = tpu.memref_squeeze %dma_start3A_478 : memref<1x8x2048xf32, #tpu.memory_space<vmem>> -> memref<8x2048xf32, #tpu.memory_space<vmem>>
      %dma_start3A_480 = tpu.memref_slice %arg5[%mul3A_474] : memref<1024xi32, #tpu.memory_space<vmem>> -> memref<8xi32, #tpu.memory_space<vmem>>
      %dma_start3A_481 = arith.constant 0 : i32
      %dma_start3A_482 = arith.constant 0 : i32
      %dma_start3A_483 = tpu.memref_slice %arg3[%dma_start3A_481, %dma_start3A_482] : memref<8192x2048xf32, #tpu.memory_space<hbm>> -> memref<8192x2048xf32, #tpu.memory_space<hbm>>
      tpu.enqueue_indirect_dma source(%dma_start3A_483 : memref<8192x2048xf32, #tpu.memory_space<hbm>>) target(%dma_start3A_479 : memref<8x2048xf32, #tpu.memory_space<vmem>>) offsets(%dma_start3A_480 : memref<8xi32, #tpu.memory_space<vmem>>) semaphore(%arg10 : memref<!tpu.dma_semaphore, #tpu.memory_space<semaphore_mem>>)
    }
    %scan3A_45 = arith.constant 31 : i32
    %dma_wait3A = arith.constant 0 : i32
    %dma_wait3A_46 = arith.constant 0 : i32
    %dma_wait3A_47 = arith.constant 0 : i32
    %dma_wait3A_48 = tpu.memref_slice %arg6[%dma_wait3A, %dma_wait3A_46, %dma_wait3A_47] : memref<4x8x2048xf32, #tpu.memory_space<vmem>> -> memref<1x8x2048xf32, #tpu.memory_space<vmem>>
    %dma_wait3A_49 = tpu.memref_squeeze %dma_wait3A_48 : memref<1x8x2048xf32, #tpu.memory_space<vmem>> -> memref<8x2048xf32, #tpu.memory_space<vmem>>
    %dma_wait3A_50 = arith.constant 0 : i32
    %dma_wait3A_51 = arith.constant 0 : i32
    %dma_wait3A_52 = tpu.memref_slice %arg3[%dma_wait3A_50, %dma_wait3A_51] : memref<8192x2048xf32, #tpu.memory_space<hbm>> -> memref<8x2048xf32, #tpu.memory_space<hbm>>
    %dma_wait3A_53 = arith.constant 0 : i32
    %dma_wait3A_54 = arith.constant 0 : i32
    %dma_wait3A_55 = tpu.memref_slice %arg6[%dma_wait3A, %dma_wait3A_53, %dma_wait3A_54] : memref<4x8x2048xf32, #tpu.memory_space<vmem>> -> memref<1x8x2048xf32, #tpu.memory_space<vmem>>
    %dma_wait3A_56 = tpu.memref_squeeze %dma_wait3A_55 : memref<1x8x2048xf32, #tpu.memory_space<vmem>> -> memref<8x2048xf32, #tpu.memory_space<vmem>>
    %dma_wait3A_57 = arith.constant 0 : i32
    %dma_wait3A_58 = arith.constant 0 : i32
    %dma_wait3A_59 = tpu.memref_slice %arg3[%dma_wait3A_57, %dma_wait3A_58] : memref<8192x2048xf32, #tpu.memory_space<hbm>> -> memref<8x2048xf32, #tpu.memory_space<hbm>>
    tpu.wait_dma2 semaphore(%arg7 : memref<!tpu.dma_semaphore, #tpu.memory_space<semaphore_mem>>) src(%dma_wait3A_59 : memref<8x2048xf32, #tpu.memory_space<hbm>>) dst(%dma_wait3A_56 : memref<8x2048xf32, #tpu.memory_space<vmem>>)
    %add3A_60 = arith.constant 992 : i32
    %add3A_61 = arith.addi %mul3A_2, %add3A_60 : i32
    %dma_start3A_62 = arith.constant 0 : i32
    %dma_start3A_63 = arith.constant 0 : i32
    %dma_start3A_64 = arith.constant 0 : i32
    %dma_start3A_65 = tpu.memref_slice %arg6[%dma_start3A_62, %dma_start3A_63, %dma_start3A_64] : memref<4x8x2048xf32, #tpu.memory_space<vmem>> -> memref<1x8x2048xf32, #tpu.memory_space<vmem>>
    %dma_start3A_66 = tpu.memref_squeeze %dma_start3A_65 : memref<1x8x2048xf32, #tpu.memory_space<vmem>> -> memref<8x2048xf32, #tpu.memory_space<vmem>>
    %dma_start3A_67 = arith.constant 0 : i32
    %dma_start3A_68 = tpu.memref_slice %arg4[%add3A_61, %dma_start3A_67] : memref<32768x2048xf32, #tpu.memory_space<hbm>> -> memref<8x2048xf32, #tpu.memory_space<hbm>>
    %dma_start3A_69 = arith.constant 0 : i32
    %dma_start3A_70 = tpu.memref_slice %arg4[%add3A_61, %dma_start3A_69] : memref<32768x2048xf32, #tpu.memory_space<hbm>> -> memref<8x2048xf32, #tpu.memory_space<hbm>>
    %dma_start3A_71 = arith.constant 0 : i32
    %dma_start3A_72 = arith.constant 0 : i32
    %dma_start3A_73 = tpu.memref_slice %arg6[%dma_start3A_62, %dma_start3A_71, %dma_start3A_72] : memref<4x8x2048xf32, #tpu.memory_space<vmem>> -> memref<1x8x2048xf32, #tpu.memory_space<vmem>>
    %dma_start3A_74 = tpu.memref_squeeze %dma_start3A_73 : memref<1x8x2048xf32, #tpu.memory_space<vmem>> -> memref<8x2048xf32, #tpu.memory_space<vmem>>
    tpu.enqueue_dma source(%dma_start3A_74 : memref<8x2048xf32, #tpu.memory_space<vmem>>) target(%dma_start3A_70 : memref<8x2048xf32, #tpu.memory_space<hbm>>) target_semaphore(%arg11 : memref<!tpu.dma_semaphore, #tpu.memory_space<semaphore_mem>>)
    %dma_wait3A_75 = arith.constant 0 : i32
    %dma_wait3A_76 = arith.constant 0 : i32
    %dma_wait3A_77 = arith.constant 0 : i32
    %dma_wait3A_78 = tpu.memref_slice %arg6[%dma_wait3A_75, %dma_wait3A_76, %dma_wait3A_77] : memref<4x8x2048xf32, #tpu.memory_space<vmem>> -> memref<1x8x2048xf32, #tpu.memory_space<vmem>>
    %dma_wait3A_79 = tpu.memref_squeeze %dma_wait3A_78 : memref<1x8x2048xf32, #tpu.memory_space<vmem>> -> memref<8x2048xf32, #tpu.memory_space<vmem>>
    %dma_wait3A_80 = arith.constant 0 : i32
    %dma_wait3A_81 = arith.constant 0 : i32
    %dma_wait3A_82 = tpu.memref_slice %arg4[%dma_wait3A_80, %dma_wait3A_81] : memref<32768x2048xf32, #tpu.memory_space<hbm>> -> memref<8x2048xf32, #tpu.memory_space<hbm>>
    %dma_wait3A_83 = arith.constant 0 : i32
    %dma_wait3A_84 = arith.constant 0 : i32
    %dma_wait3A_85 = tpu.memref_slice %arg4[%dma_wait3A_83, %dma_wait3A_84] : memref<32768x2048xf32, #tpu.memory_space<hbm>> -> memref<8x2048xf32, #tpu.memory_space<hbm>>
    %dma_wait3A_86 = arith.constant 0 : i32
    %dma_wait3A_87 = arith.constant 0 : i32
    %dma_wait3A_88 = tpu.memref_slice %arg6[%dma_wait3A_75, %dma_wait3A_86, %dma_wait3A_87] : memref<4x8x2048xf32, #tpu.memory_space<vmem>> -> memref<1x8x2048xf32, #tpu.memory_space<vmem>>
    %dma_wait3A_89 = tpu.memref_squeeze %dma_wait3A_88 : memref<1x8x2048xf32, #tpu.memory_space<vmem>> -> memref<8x2048xf32, #tpu.memory_space<vmem>>
    tpu.wait_dma2 semaphore(%arg11 : memref<!tpu.dma_semaphore, #tpu.memory_space<semaphore_mem>>) src(%dma_wait3A_89 : memref<8x2048xf32, #tpu.memory_space<vmem>>) dst(%dma_wait3A_85 : memref<8x2048xf32, #tpu.memory_space<hbm>>)
    %dma_wait3A_90 = arith.constant 1 : i32
    %dma_wait3A_91 = arith.constant 0 : i32
    %dma_wait3A_92 = arith.constant 0 : i32
    %dma_wait3A_93 = tpu.memref_slice %arg6[%dma_wait3A_90, %dma_wait3A_91, %dma_wait3A_92] : memref<4x8x2048xf32, #tpu.memory_space<vmem>> -> memref<1x8x2048xf32, #tpu.memory_space<vmem>>
    %dma_wait3A_94 = tpu.memref_squeeze %dma_wait3A_93 : memref<1x8x2048xf32, #tpu.memory_space<vmem>> -> memref<8x2048xf32, #tpu.memory_space<vmem>>
    %dma_wait3A_95 = arith.constant 0 : i32
    %dma_wait3A_96 = arith.constant 0 : i32
    %dma_wait3A_97 = tpu.memref_slice %arg3[%dma_wait3A_95, %dma_wait3A_96] : memref<8192x2048xf32, #tpu.memory_space<hbm>> -> memref<8x2048xf32, #tpu.memory_space<hbm>>
    %dma_wait3A_98 = arith.constant 0 : i32
    %dma_wait3A_99 = arith.constant 0 : i32
    %dma_wait3A_100 = tpu.memref_slice %arg6[%dma_wait3A_90, %dma_wait3A_98, %dma_wait3A_99] : memref<4x8x2048xf32, #tpu.memory_space<vmem>> -> memref<1x8x2048xf32, #tpu.memory_space<vmem>>
    %dma_wait3A_101 = tpu.memref_squeeze %dma_wait3A_100 : memref<1x8x2048xf32, #tpu.memory_space<vmem>> -> memref<8x2048xf32, #tpu.memory_space<vmem>>
    %dma_wait3A_102 = arith.constant 0 : i32
    %dma_wait3A_103 = arith.constant 0 : i32
    %dma_wait3A_104 = tpu.memref_slice %arg3[%dma_wait3A_102, %dma_wait3A_103] : memref<8192x2048xf32, #tpu.memory_space<hbm>> -> memref<8x2048xf32, #tpu.memory_space<hbm>>
    tpu.wait_dma2 semaphore(%arg8 : memref<!tpu.dma_semaphore, #tpu.memory_space<semaphore_mem>>) src(%dma_wait3A_104 : memref<8x2048xf32, #tpu.memory_space<hbm>>) dst(%dma_wait3A_101 : memref<8x2048xf32, #tpu.memory_space<vmem>>)
    %add3A_105 = arith.constant 1000 : i32
    %add3A_106 = arith.addi %mul3A_2, %add3A_105 : i32
    %dma_start3A_107 = arith.constant 1 : i32
    %dma_start3A_108 = arith.constant 0 : i32
    %dma_start3A_109 = arith.constant 0 : i32
    %dma_start3A_110 = tpu.memref_slice %arg6[%dma_start3A_107, %dma_start3A_108, %dma_start3A_109] : memref<4x8x2048xf32, #tpu.memory_space<vmem>> -> memref<1x8x2048xf32, #tpu.memory_space<vmem>>
    %dma_start3A_111 = tpu.memref_squeeze %dma_start3A_110 : memref<1x8x2048xf32, #tpu.memory_space<vmem>> -> memref<8x2048xf32, #tpu.memory_space<vmem>>
    %dma_start3A_112 = arith.constant 0 : i32
    %dma_start3A_113 = tpu.memref_slice %arg4[%add3A_106, %dma_start3A_112] : memref<32768x2048xf32, #tpu.memory_space<hbm>> -> memref<8x2048xf32, #tpu.memory_space<hbm>>
    %dma_start3A_114 = arith.constant 0 : i32
    %dma_start3A_115 = tpu.memref_slice %arg4[%add3A_106, %dma_start3A_114] : memref<32768x2048xf32, #tpu.memory_space<hbm>> -> memref<8x2048xf32, #tpu.memory_space<hbm>>
    %dma_start3A_116 = arith.constant 0 : i32
    %dma_start3A_117 = arith.constant 0 : i32
    %dma_start3A_118 = tpu.memref_slice %arg6[%dma_start3A_107, %dma_start3A_116, %dma_start3A_117] : memref<4x8x2048xf32, #tpu.memory_space<vmem>> -> memref<1x8x2048xf32, #tpu.memory_space<vmem>>
    %dma_start3A_119 = tpu.memref_squeeze %dma_start3A_118 : memref<1x8x2048xf32, #tpu.memory_space<vmem>> -> memref<8x2048xf32, #tpu.memory_space<vmem>>
    tpu.enqueue_dma source(%dma_start3A_119 : memref<8x2048xf32, #tpu.memory_space<vmem>>) target(%dma_start3A_115 : memref<8x2048xf32, #tpu.memory_space<hbm>>) target_semaphore(%arg12 : memref<!tpu.dma_semaphore, #tpu.memory_space<semaphore_mem>>)
    %dma_wait3A_120 = arith.constant 1 : i32
    %dma_wait3A_121 = arith.constant 0 : i32
    %dma_wait3A_122 = arith.constant 0 : i32
    %dma_wait3A_123 = tpu.memref_slice %arg6[%dma_wait3A_120, %dma_wait3A_121, %dma_wait3A_122] : memref<4x8x2048xf32, #tpu.memory_space<vmem>> -> memref<1x8x2048xf32, #tpu.memory_space<vmem>>
    %dma_wait3A_124 = tpu.memref_squeeze %dma_wait3A_123 : memref<1x8x2048xf32, #tpu.memory_space<vmem>> -> memref<8x2048xf32, #tpu.memory_space<vmem>>
    %dma_wait3A_125 = arith.constant 0 : i32
    %dma_wait3A_126 = arith.constant 0 : i32
    %dma_wait3A_127 = tpu.memref_slice %arg4[%dma_wait3A_125, %dma_wait3A_126] : memref<32768x2048xf32, #tpu.memory_space<hbm>> -> memref<8x2048xf32, #tpu.memory_space<hbm>>
    %dma_wait3A_128 = arith.constant 0 : i32
    %dma_wait3A_129 = arith.constant 0 : i32
    %dma_wait3A_130 = tpu.memref_slice %arg4[%dma_wait3A_128, %dma_wait3A_129] : memref<32768x2048xf32, #tpu.memory_space<hbm>> -> memref<8x2048xf32, #tpu.memory_space<hbm>>
    %dma_wait3A_131 = arith.constant 0 : i32
    %dma_wait3A_132 = arith.constant 0 : i32
    %dma_wait3A_133 = tpu.memref_slice %arg6[%dma_wait3A_120, %dma_wait3A_131, %dma_wait3A_132] : memref<4x8x2048xf32, #tpu.memory_space<vmem>> -> memref<1x8x2048xf32, #tpu.memory_space<vmem>>
    %dma_wait3A_134 = tpu.memref_squeeze %dma_wait3A_133 : memref<1x8x2048xf32, #tpu.memory_space<vmem>> -> memref<8x2048xf32, #tpu.memory_space<vmem>>
    tpu.wait_dma2 semaphore(%arg12 : memref<!tpu.dma_semaphore, #tpu.memory_space<semaphore_mem>>) src(%dma_wait3A_134 : memref<8x2048xf32, #tpu.memory_space<vmem>>) dst(%dma_wait3A_130 : memref<8x2048xf32, #tpu.memory_space<hbm>>)
    %dma_wait3A_135 = arith.constant 2 : i32
    %dma_wait3A_136 = arith.constant 0 : i32
    %dma_wait3A_137 = arith.constant 0 : i32
    %dma_wait3A_138 = tpu.memref_slice %arg6[%dma_wait3A_135, %dma_wait3A_136, %dma_wait3A_137] : memref<4x8x2048xf32, #tpu.memory_space<vmem>> -> memref<1x8x2048xf32, #tpu.memory_space<vmem>>
    %dma_wait3A_139 = tpu.memref_squeeze %dma_wait3A_138 : memref<1x8x2048xf32, #tpu.memory_space<vmem>> -> memref<8x2048xf32, #tpu.memory_space<vmem>>
    %dma_wait3A_140 = arith.constant 0 : i32
    %dma_wait3A_141 = arith.constant 0 : i32
    %dma_wait3A_142 = tpu.memref_slice %arg3[%dma_wait3A_140, %dma_wait3A_141] : memref<8192x2048xf32, #tpu.memory_space<hbm>> -> memref<8x2048xf32, #tpu.memory_space<hbm>>
    %dma_wait3A_143 = arith.constant 0 : i32
    %dma_wait3A_144 = arith.constant 0 : i32
    %dma_wait3A_145 = tpu.memref_slice %arg6[%dma_wait3A_135, %dma_wait3A_143, %dma_wait3A_144] : memref<4x8x2048xf32, #tpu.memory_space<vmem>> -> memref<1x8x2048xf32, #tpu.memory_space<vmem>>
    %dma_wait3A_146 = tpu.memref_squeeze %dma_wait3A_145 : memref<1x8x2048xf32, #tpu.memory_space<vmem>> -> memref<8x2048xf32, #tpu.memory_space<vmem>>
    %dma_wait3A_147 = arith.constant 0 : i32
    %dma_wait3A_148 = arith.constant 0 : i32
    %dma_wait3A_149 = tpu.memref_slice %arg3[%dma_wait3A_147, %dma_wait3A_148] : memref<8192x2048xf32, #tpu.memory_space<hbm>> -> memref<8x2048xf32, #tpu.memory_space<hbm>>
    tpu.wait_dma2 semaphore(%arg9 : memref<!tpu.dma_semaphore, #tpu.memory_space<semaphore_mem>>) src(%dma_wait3A_149 : memref<8x2048xf32, #tpu.memory_space<hbm>>) dst(%dma_wait3A_146 : memref<8x2048xf32, #tpu.memory_space<vmem>>)
    %add3A_150 = arith.constant 1008 : i32
    %add3A_151 = arith.addi %mul3A_2, %add3A_150 : i32
    %dma_start3A_152 = arith.constant 2 : i32
    %dma_start3A_153 = arith.constant 0 : i32
    %dma_start3A_154 = arith.constant 0 : i32
    %dma_start3A_155 = tpu.memref_slice %arg6[%dma_start3A_152, %dma_start3A_153, %dma_start3A_154] : memref<4x8x2048xf32, #tpu.memory_space<vmem>> -> memref<1x8x2048xf32, #tpu.memory_space<vmem>>
    %dma_start3A_156 = tpu.memref_squeeze %dma_start3A_155 : memref<1x8x2048xf32, #tpu.memory_space<vmem>> -> memref<8x2048xf32, #tpu.memory_space<vmem>>
    %dma_start3A_157 = arith.constant 0 : i32
    %dma_start3A_158 = tpu.memref_slice %arg4[%add3A_151, %dma_start3A_157] : memref<32768x2048xf32, #tpu.memory_space<hbm>> -> memref<8x2048xf32, #tpu.memory_space<hbm>>
    %dma_start3A_159 = arith.constant 0 : i32
    %dma_start3A_160 = tpu.memref_slice %arg4[%add3A_151, %dma_start3A_159] : memref<32768x2048xf32, #tpu.memory_space<hbm>> -> memref<8x2048xf32, #tpu.memory_space<hbm>>
    %dma_start3A_161 = arith.constant 0 : i32
    %dma_start3A_162 = arith.constant 0 : i32
    %dma_start3A_163 = tpu.memref_slice %arg6[%dma_start3A_152, %dma_start3A_161, %dma_start3A_162] : memref<4x8x2048xf32, #tpu.memory_space<vmem>> -> memref<1x8x2048xf32, #tpu.memory_space<vmem>>
    %dma_start3A_164 = tpu.memref_squeeze %dma_start3A_163 : memref<1x8x2048xf32, #tpu.memory_space<vmem>> -> memref<8x2048xf32, #tpu.memory_space<vmem>>
    tpu.enqueue_dma source(%dma_start3A_164 : memref<8x2048xf32, #tpu.memory_space<vmem>>) target(%dma_start3A_160 : memref<8x2048xf32, #tpu.memory_space<hbm>>) target_semaphore(%arg13 : memref<!tpu.dma_semaphore, #tpu.memory_space<semaphore_mem>>)
    %dma_wait3A_165 = arith.constant 2 : i32
    %dma_wait3A_166 = arith.constant 0 : i32
    %dma_wait3A_167 = arith.constant 0 : i32
    %dma_wait3A_168 = tpu.memref_slice %arg6[%dma_wait3A_165, %dma_wait3A_166, %dma_wait3A_167] : memref<4x8x2048xf32, #tpu.memory_space<vmem>> -> memref<1x8x2048xf32, #tpu.memory_space<vmem>>
    %dma_wait3A_169 = tpu.memref_squeeze %dma_wait3A_168 : memref<1x8x2048xf32, #tpu.memory_space<vmem>> -> memref<8x2048xf32, #tpu.memory_space<vmem>>
    %dma_wait3A_170 = arith.constant 0 : i32
    %dma_wait3A_171 = arith.constant 0 : i32
    %dma_wait3A_172 = tpu.memref_slice %arg4[%dma_wait3A_170, %dma_wait3A_171] : memref<32768x2048xf32, #tpu.memory_space<hbm>> -> memref<8x2048xf32, #tpu.memory_space<hbm>>
    %dma_wait3A_173 = arith.constant 0 : i32
    %dma_wait3A_174 = arith.constant 0 : i32
    %dma_wait3A_175 = tpu.memref_slice %arg4[%dma_wait3A_173, %dma_wait3A_174] : memref<32768x2048xf32, #tpu.memory_space<hbm>> -> memref<8x2048xf32, #tpu.memory_space<hbm>>
    %dma_wait3A_176 = arith.constant 0 : i32
    %dma_wait3A_177 = arith.constant 0 : i32
    %dma_wait3A_178 = tpu.memref_slice %arg6[%dma_wait3A_165, %dma_wait3A_176, %dma_wait3A_177] : memref<4x8x2048xf32, #tpu.memory_space<vmem>> -> memref<1x8x2048xf32, #tpu.memory_space<vmem>>
    %dma_wait3A_179 = tpu.memref_squeeze %dma_wait3A_178 : memref<1x8x2048xf32, #tpu.memory_space<vmem>> -> memref<8x2048xf32, #tpu.memory_space<vmem>>
    tpu.wait_dma2 semaphore(%arg13 : memref<!tpu.dma_semaphore, #tpu.memory_space<semaphore_mem>>) src(%dma_wait3A_179 : memref<8x2048xf32, #tpu.memory_space<vmem>>) dst(%dma_wait3A_175 : memref<8x2048xf32, #tpu.memory_space<hbm>>)
    %dma_wait3A_180 = arith.constant 3 : i32
    %dma_wait3A_181 = arith.constant 0 : i32
    %dma_wait3A_182 = arith.constant 0 : i32
    %dma_wait3A_183 = tpu.memref_slice %arg6[%dma_wait3A_180, %dma_wait3A_181, %dma_wait3A_182] : memref<4x8x2048xf32, #tpu.memory_space<vmem>> -> memref<1x8x2048xf32, #tpu.memory_space<vmem>>
    %dma_wait3A_184 = tpu.memref_squeeze %dma_wait3A_183 : memref<1x8x2048xf32, #tpu.memory_space<vmem>> -> memref<8x2048xf32, #tpu.memory_space<vmem>>
    %dma_wait3A_185 = arith.constant 0 : i32
    %dma_wait3A_186 = arith.constant 0 : i32
    %dma_wait3A_187 = tpu.memref_slice %arg3[%dma_wait3A_185, %dma_wait3A_186] : memref<8192x2048xf32, #tpu.memory_space<hbm>> -> memref<8x2048xf32, #tpu.memory_space<hbm>>
    %dma_wait3A_188 = arith.constant 0 : i32
    %dma_wait3A_189 = arith.constant 0 : i32
    %dma_wait3A_190 = tpu.memref_slice %arg6[%dma_wait3A_180, %dma_wait3A_188, %dma_wait3A_189] : memref<4x8x2048xf32, #tpu.memory_space<vmem>> -> memref<1x8x2048xf32, #tpu.memory_space<vmem>>
    %dma_wait3A_191 = tpu.memref_squeeze %dma_wait3A_190 : memref<1x8x2048xf32, #tpu.memory_space<vmem>> -> memref<8x2048xf32, #tpu.memory_space<vmem>>
    %dma_wait3A_192 = arith.constant 0 : i32
    %dma_wait3A_193 = arith.constant 0 : i32
    %dma_wait3A_194 = tpu.memref_slice %arg3[%dma_wait3A_192, %dma_wait3A_193] : memref<8192x2048xf32, #tpu.memory_space<hbm>> -> memref<8x2048xf32, #tpu.memory_space<hbm>>
    tpu.wait_dma2 semaphore(%arg10 : memref<!tpu.dma_semaphore, #tpu.memory_space<semaphore_mem>>) src(%dma_wait3A_194 : memref<8x2048xf32, #tpu.memory_space<hbm>>) dst(%dma_wait3A_191 : memref<8x2048xf32, #tpu.memory_space<vmem>>)
    %add3A_195 = arith.constant 1016 : i32
    %add3A_196 = arith.addi %mul3A_2, %add3A_195 : i32
    %dma_start3A_197 = arith.constant 3 : i32
    %dma_start3A_198 = arith.constant 0 : i32
    %dma_start3A_199 = arith.constant 0 : i32
    %dma_start3A_200 = tpu.memref_slice %arg6[%dma_start3A_197, %dma_start3A_198, %dma_start3A_199] : memref<4x8x2048xf32, #tpu.memory_space<vmem>> -> memref<1x8x2048xf32, #tpu.memory_space<vmem>>
    %dma_start3A_201 = tpu.memref_squeeze %dma_start3A_200 : memref<1x8x2048xf32, #tpu.memory_space<vmem>> -> memref<8x2048xf32, #tpu.memory_space<vmem>>
    %dma_start3A_202 = arith.constant 0 : i32
    %dma_start3A_203 = tpu.memref_slice %arg4[%add3A_196, %dma_start3A_202] : memref<32768x2048xf32, #tpu.memory_space<hbm>> -> memref<8x2048xf32, #tpu.memory_space<hbm>>
    %dma_start3A_204 = arith.constant 0 : i32
    %dma_start3A_205 = tpu.memref_slice %arg4[%add3A_196, %dma_start3A_204] : memref<32768x2048xf32, #tpu.memory_space<hbm>> -> memref<8x2048xf32, #tpu.memory_space<hbm>>
    %dma_start3A_206 = arith.constant 0 : i32
    %dma_start3A_207 = arith.constant 0 : i32
    %dma_start3A_208 = tpu.memref_slice %arg6[%dma_start3A_197, %dma_start3A_206, %dma_start3A_207] : memref<4x8x2048xf32, #tpu.memory_space<vmem>> -> memref<1x8x2048xf32, #tpu.memory_space<vmem>>
    %dma_start3A_209 = tpu.memref_squeeze %dma_start3A_208 : memref<1x8x2048xf32, #tpu.memory_space<vmem>> -> memref<8x2048xf32, #tpu.memory_space<vmem>>
    tpu.enqueue_dma source(%dma_start3A_209 : memref<8x2048xf32, #tpu.memory_space<vmem>>) target(%dma_start3A_205 : memref<8x2048xf32, #tpu.memory_space<hbm>>) target_semaphore(%arg14 : memref<!tpu.dma_semaphore, #tpu.memory_space<semaphore_mem>>)
    %dma_wait3A_210 = arith.constant 3 : i32
    %dma_wait3A_211 = arith.constant 0 : i32
    %dma_wait3A_212 = arith.constant 0 : i32
    %dma_wait3A_213 = tpu.memref_slice %arg6[%dma_wait3A_210, %dma_wait3A_211, %dma_wait3A_212] : memref<4x8x2048xf32, #tpu.memory_space<vmem>> -> memref<1x8x2048xf32, #tpu.memory_space<vmem>>
    %dma_wait3A_214 = tpu.memref_squeeze %dma_wait3A_213 : memref<1x8x2048xf32, #tpu.memory_space<vmem>> -> memref<8x2048xf32, #tpu.memory_space<vmem>>
    %dma_wait3A_215 = arith.constant 0 : i32
    %dma_wait3A_216 = arith.constant 0 : i32
    %dma_wait3A_217 = tpu.memref_slice %arg4[%dma_wait3A_215, %dma_wait3A_216] : memref<32768x2048xf32, #tpu.memory_space<hbm>> -> memref<8x2048xf32, #tpu.memory_space<hbm>>
    %dma_wait3A_218 = arith.constant 0 : i32
    %dma_wait3A_219 = arith.constant 0 : i32
    %dma_wait3A_220 = tpu.memref_slice %arg4[%dma_wait3A_218, %dma_wait3A_219] : memref<32768x2048xf32, #tpu.memory_space<hbm>> -> memref<8x2048xf32, #tpu.memory_space<hbm>>
    %dma_wait3A_221 = arith.constant 0 : i32
    %dma_wait3A_222 = arith.constant 0 : i32
    %dma_wait3A_223 = tpu.memref_slice %arg6[%dma_wait3A_210, %dma_wait3A_221, %dma_wait3A_222] : memref<4x8x2048xf32, #tpu.memory_space<vmem>> -> memref<1x8x2048xf32, #tpu.memory_space<vmem>>
    %dma_wait3A_224 = tpu.memref_squeeze %dma_wait3A_223 : memref<1x8x2048xf32, #tpu.memory_space<vmem>> -> memref<8x2048xf32, #tpu.memory_space<vmem>>
    tpu.wait_dma2 semaphore(%arg14 : memref<!tpu.dma_semaphore, #tpu.memory_space<semaphore_mem>>) src(%dma_wait3A_224 : memref<8x2048xf32, #tpu.memory_space<vmem>>) dst(%dma_wait3A_220 : memref<8x2048xf32, #tpu.memory_space<hbm>>)
    return
  }
}

</mosaic_0001>

<sc_bundles>
// kernel: _gather.3.cloned.1.call-start
scs
__scs_entry_jumppad:
0x0: {  	(pc) =	sbr.rel $0x88, $3  }
0x1: {  	(tag) =	ssettag $0x0;
	lr =	simm.s32 $0x1  }
0x2: {  	[smem:$0x3F9F] =	sst lr;
	_ =	strace $0xD0000000  }
0x3: {  	_ = 	snop  }
0x4: {  	_ = 	snop  }
0x5: {  	_ = 	snop  }
0x6: {  	_ = 	snop  }
0x7: {  	_ = 	snop  }
__scs_overlays_trampoline_lowered:
0x8: {  	[smem:$0x3FAE] =	sst s0  }
0x9: {  	[smem:$0x3FAF] =	sst s1  }
0xa: {  	[smem:$0x3FB0] =	sst s2  }
0xb: {  	[smem:$0x3FB1] =	sst s3  }
0xc: {  	[smem:$0x3FB2] =	sst s4  }
0xd: {  	[smem:$0x3FB3] =	sst s5  }
0xe: {  	[smem:$0x3FB4] =	sst s6  }
0xf: {  	[smem:$0x3FB5] =	sst s7  }
0x10: {  	[smem:$0x3FB6] =	sst s8  }
0x11: {  	[smem:$0x3FB7] =	sst s9;
	s0 =	simm.s32 @!p0 $0x0  }
0x12: {  	s1 =	sld [smem:$0x3F9D];
	s0 =	simm.s32 @p0 $0x1  }
0x13: {  	[smem:$0x3FB8] =	sst s0;
	s0 =	simm.s32 @!p1 $0x0  }
0x14: {  	s2 =	sld [smem:$0x3F9C];
	s0 =	simm.s32 @p1 $0x1  }
0x15: {  	[smem:$0x3FB9] =	sst s0;
	s0 =	simm.s32 @!p2 $0x0  }
0x16: {  	s3 =	sld [smem:$0x3FDB];
	s0 =	simm.s32 @p2 $0x1  }
0x17: {  	s4 =	simm.s32 $0x1BF5;
	[smem:$0x3FBB] =	sst s0  }
0x18: {  	s0 =	sld [smem:$0x3F9E];
	_ =	swait.ge [sflag:s4], $0x0  }
0x19: {  	s7 =	sld [smem:$0x3F9F]  }
0x1a: {  	s8 =	sadd.s32 $0xFFFFE003, lr  }
0x1b: {  	s9 =	sadd.s32 $0xFFFFFEF7, lr;
	s5 =	simm.s32 $0xFFFFFFFF;
	p2 =	slt.u32 s8, $0xFFFFF086  }
0x1c: {  	p1 =	slt.u32 s9, $0xF7A;
	s5 =	simm.s32 @!p2 $0x0  }
0x1d: {  	s5 =	simm.s32 @p1 $0x1;
	p0 =	seq.s32 s7, s2  }
0x1e: {  	s7 =	smul.u32 @!p0 $0xF7A, s2;
	p2 =	seq.s32 @!p0 s5, $0x0  }
0x1f: {  	s9 =	smul.u32 $0xF7A, s1;
	s8 =	simm.s32 @!p0 $0x1BF5;
	p2 =	por !p2, p0  }
0x20: {  	[sflag:s8] =	ssyncset.s32 @!p0 $0xFFFFF086;
	s6 =	sadd.s32 @!p0 s3, s7;
	s7 =	simm.s32 @!p0 $0x108  }
0x21: {  	s3 =	sadd.s32 s3, s9;
	s6 =	sadd.s32 @!p0 $0x88, s6;
	s7 =	simm.s32 @p2 $0x1082  }
0x22: {  	[simem:s7], [sflag:s8] =	dma.local @!p0 [hbm:s6], $0xF7A  }
0x23: {  	s9 =	sor.u32 $0xD0000000, s2;
	s6 =	simm.s32 $0x108;
	_ =	swait.ge @!p0 [sflag:s8], $0x0  }
0x24: {  	s3 =	sadd.s32 $0x88, s3;
	s6 =	simm.s32 @!p1 $0x1082;
	[sflag:s4] =	ssyncset.s32 $0xFFFFF086  }
0x25: {  	[simem:s6], [sflag:s4] =	dma.local [hbm:s3], $0xF7A  }
0x26: {  	[smem:$0x3F9F] =	sst s1;
	(tag) =	ssettag s2;
	_ =	strace s9  }
0x27: {  	s1 =	sld [smem:$0x3FAF]  }
0x28: {  	s2 =	sld [smem:$0x3FB0]  }
0x29: {  	s4 =	sld [smem:$0x3FB2]  }
0x2a: {  	p0 =	seq.s32 s5, $0x0;
	s5 =	sld [smem:$0x3FB3]  }
0x2b: {  	s6 =	sld [smem:$0x3FB4]  }
0x2c: {  	s7 =	sld [smem:$0x3FB5]  }
0x2d: {  	s3 =	simm.s32 $0x108;
	s8 =	sld [smem:$0x3FB6]  }
0x2e: {  	s3 =	simm.s32 @!p0 $0x1082;
	s9 =	sld [smem:$0x3FB7]  }
0x2f: {  	lr =	sadd.s32 s0, s3;
	s0 =	sld [smem:$0x3FAE]  }
0x30: {  	s3 =	sld [smem:$0x3FB1]  }
0x31: {  	[smem:$0x3FBA] =	sst s10  }
0x32: {  	s10 =	sld [smem:$0x3FB8];
	_ =	sdelay $0x3  }
0x33: {  	p0 =	seq.s32 s10, $0x1;
	s10 =	sld [smem:$0x3FBA];
	_ =	sdelay $0x3  }
0x34: {  	[smem:$0x3FBA] =	sst s10  }
0x35: {  	s10 =	sld [smem:$0x3FB9];
	_ =	sdelay $0x3  }
0x36: {  	p1 =	seq.s32 s10, $0x1;
	s10 =	sld [smem:$0x3FBA];
	_ =	sdelay $0x3  }
0x37: {  	[smem:$0x3FBA] =	sst s10  }
0x38: {  	s10 =	sld [smem:$0x3FBB]  }
0x39: {  	_ = 	snop;
	(pc) =	sbr.ind lr, $3  }
0x3a: {  	_ = 	snop  }
0x3b: {  	_ = 	snop  }
0x3c: {  	p2 =	seq.s32 s10, $0x1;
	s10 =	sld [smem:$0x3FBA]  }
0x3d: {  	_ =	shalt  }
0x3e: {  	_ =	shalt  }
0x3f: {  	_ =	shalt  }
0x40: {  	_ =	shalt  }
0x41: {  	_ =	shalt  }
0x42: {  	_ =	shalt  }
0x43: {  	_ =	shalt  }
0x44: {  	_ =	shalt  }
0x45: {  	_ =	shalt  }
0x46: {  	_ =	shalt  }
0x47: {  	_ =	shalt  }
0x48: {  	_ =	shalt  }
0x49: {  	_ =	shalt  }
0x4a: {  	_ =	shalt  }
0x4b: {  	_ =	shalt  }
0x4c: {  	_ =	shalt  }
0x4d: {  	_ =	shalt  }
0x4e: {  	_ =	shalt  }
0x4f: {  	_ =	shalt  }
0x50: {  	_ =	shalt  }
0x51: {  	_ =	shalt  }
0x52: {  	_ =	shalt  }
0x53: {  	_ =	shalt  }
0x54: {  	_ =	shalt  }
0x55: {  	_ =	shalt  }
0x56: {  	_ =	shalt  }
0x57: {  	_ =	shalt  }
0x58: {  	_ =	shalt  }
0x59: {  	_ =	shalt  }
0x5a: {  	_ =	shalt  }
0x5b: {  	_ =	shalt  }
0x5c: {  	_ =	shalt  }
0x5d: {  	_ =	shalt  }
0x5e: {  	_ =	shalt  }
0x5f: {  	_ =	shalt  }
0x60: {  	_ =	shalt  }
0x61: {  	_ =	shalt  }
0x62: {  	_ =	shalt  }
0x63: {  	_ =	shalt  }
0x64: {  	_ =	shalt  }
0x65: {  	_ =	shalt  }
0x66: {  	_ =	shalt  }
0x67: {  	_ =	shalt  }
0x68: {  	_ =	shalt  }
0x69: {  	_ =	shalt  }
0x6a: {  	_ =	shalt  }
0x6b: {  	_ =	shalt  }
0x6c: {  	_ =	shalt  }
0x6d: {  	_ =	shalt  }
0x6e: {  	_ =	shalt  }
0x6f: {  	_ =	shalt  }
0x70: {  	_ =	shalt  }
0x71: {  	_ =	shalt  }
0x72: {  	_ =	shalt  }
0x73: {  	_ =	shalt  }
0x74: {  	_ =	shalt  }
0x75: {  	_ =	shalt  }
0x76: {  	_ =	shalt  }
0x77: {  	_ =	shalt  }
0x78: {  	_ =	shalt  }
0x79: {  	_ =	shalt  }
0x7a: {  	_ =	shalt  }
0x7b: {  	_ =	shalt  }
0x7c: {  	_ =	shalt  }
0x7d: {  	_ =	shalt  }
0x7e: {  	_ =	shalt  }
0x7f: {  	_ =	shalt  }
0x80: {  	_ =	shalt  }
0x81: {  	_ =	shalt  }
0x82: {  	_ =	shalt  }
0x83: {  	_ =	shalt  }
0x84: {  	_ =	shalt  }
0x85: {  	_ =	shalt  }
0x86: {  	_ =	shalt  }
0x87: {  	_ =	shalt  }
.Lfunc_end0:
.L_simem_size_0:
called_computation_lowered:
.L_overlay_start_0:
0x88: {  	s2 =	sld [smem:$0x3FD9]  }
0x89: {  	s3 =	sld [smem:$0x3FFE];
	_ =	sdelay $0x1  }
0x8a: {  	s1 =	srdreg.scid  }
0x8b: {  	s0 =	sand.u32 $0x1, s1  }
0x8c: {  	s18 =	sshll.u32 s0, $0xA;
	s2 =	sadd.s32 s3, s2  }
0x8d: {  	s2 =	sadd.s32 s2, s18  }
0x8e: {  	[smem:$0x3FC6] =	sst s2  }
0x8f: {  	_ = 	snop  }
0x90: {  	s2 =	sld [smem:$0x3FC9]  }
0x91: {  	s19 =	sld [smem:$0x3FC8]  }
0x92: {  	s4 =	sld [smem:$0x3FD0];
	(tm) =	ssettm $0x1  }
0x93: {  	s5 =	sld [smem:$0x3FFB];
	_ =	sdelay $0x3  }
0x94: {  	_ =	strace s5  }
0x95: {  	s5 =	sld [smem:$0x3FFC];
	_ =	sdelay $0x3  }
0x96: {  	_ =	strace s5  }
0x97: {  	s5 =	sld [smem:$0x3FFD];
	_ =	sdelay $0x3  }
0x98: {  	_ =	strace s5  }
0x99: {  	_ =	strace $0x8FFFFFFF  }
0x9a: {  	s20 =	sld [smem:$0x3FDB];
	_ =	sdelay $0x1  }
0x9b: {  	s6 =	simm.s32 $_scs_section_size  }
0x9c: {  	s7 =	simm.s32 $_size__tile_overlayer_lowered;
	s8 =	simm.s32 $_tile_overlayer_lowered  }
0x9d: {  	s23 =	simm.s32 $0x1BFF;
	s22 =	sshll.u32 s8, $0x1;
	s5 =	sadd.s32 s6, s20  }
0x9e: {  	s9 =	simm.s32 $0x0;
	s21 =	sshll.u32 s7, $0x1;
	s7 =	sadd.s32 s22, s5  }
0x9f: {  	[timem:s9], [sflag:s23] =	dma.local [hbm:s7], s21  }
0xa0: {  	_ =	swait.ge [sflag:s23], s21  }
0xa1: {  	s6 =	ssub.s32 $0x0, s21;
	[sflag:s23] =	ssyncset.done $0x0  }
0xa2: {  	[sflag:s23] =	ssyncadd.s32 s6;
	_ =	sdelay $0x1  }
0xa3: {  	s24 =	simm.s32 $0x1B8B  }
0xa4: {  	_ =	swait.ge [sflag:s24], $0x1  }
0xa5: {  	[sflag:s24] =	ssyncset.done $0x0  }
0xa6: {  	s25 =	simm.s32 $0x1B8E;
	[sflag:s24] =	ssyncadd.s32 $0xFFFFFFFF  }
0xa7: {  	s26 =	simm.s32 $execute0_lowered;
	[smem:$0x3FD2] =	sst s25  }
0xa8: {  	s6 =	sshll.u32 s26, $0x1;
	_ =	strace $0x80000046;
	[dreg:$0x1] =	wrdreg $0xFFFFFFFF  }
0xa9: {  	s28 =	simm.s32 $_size_execute0_lowered;
	s5 =	sadd.s32 s5, s6;
	[dreg:$0x0] =	wrdreg $0x0  }
0xaa: {  	s6 =	sshll.u32 s28, $0x1;
	[dreg:$0x2] =	wrdreg s5  }
0xab: {  	[dreg:$0x3] =	wrdreg s6  }
0xac: {  	[dreg:$0x4] =	wrdreg $0xC0  }
0xad: {  	_ =	task [dreg:s9], $0x5FFFF  }
0xae: {  	[dreg:$0x1] =	wrdreg $0xFFFFFFFF  }
0xaf: {  	[dreg:$0x0] =	wrdreg $0x60  }
0xb0: {  	[dreg:$0x2] =	wrdreg s2  }
0xb1: {  	[dreg:$0x3] =	wrdreg s19  }
0xb2: {  	[dreg:$0x4] =	wrdreg s4  }
0xb3: {  	[dreg:$0x5] =	wrdreg $0x9  }
0xb4: {  	_ =	task.clear_ibuf [dreg:s9], $0x6FFFF;
	_ =	strace $0x90000046  }
0xb5: {  	s29 =	simm.s32 $0x9;
	_ =	strace $0x80000048  }
0xb6: {  	_ =	swait.ge [sflag:s29], $0x1  }
0xb7: {  	[sflag:s29] =	ssyncadd.s32 $0xFFFFFFFF  }
0xb8: {  	_ =	strace $0x90000048  }
0xb9: {  	_ =	sfence  }
0xba: {  	s30 =	sld [smem:$0x0];
	_ =	sdelay $0x2  }
0xbb: {  	s31 =	sshll.u32 s1, $0xD;
	s1 =	sshrl.u32 s1, $0x2  }
0xbc: {  	s3 =	sand.u32 $0x4000, s31;
	s1 =	sadd.s32 s1, s30  }
0xbd: {  	s0 =	sor.u32 s3, s0;
	s1 =	sshll.u32 s1, $0x11  }
0xbe: {  	s0 =	sor.u32 s1, s0  }
0xbf: {  	s0 =	sadd.s32 $0x8F2B, s0  }
0xc0: {  	[sflag:s0] =	ssyncadd.remote.s32 $0x1  }
0xc1: {  	_ =	sfence.sel $0xFFFF  }
0xc2: {  	[dreg:$0x0] =	wrdreg $0xFFFFFFFF;
	(pc) =	sbr.abs _section_cstart, $3  }
0xc3: {  	[dreg:$0x1] =	wrdreg $0xFFFFFFFF  }
0xc4: {  	_ =	task.clear_ibuf [dreg:s9], $0x2FFFF;
	_ =	strace $0x9FFFFFFF  }
0xc5: {  	(tm) =	ssettm $0x7FFFFFFF  }
tec
execute0_lowered:
.L_overlay_start_1:
0x0: {  	(tag) =	ssettag $0x1  }
0x1: {  	s0 =	rddreg [dreg:$0x0]  }
0x2: {  	s2 =	rddreg [dreg:$0x1]  }
0x3: {  	s1 =	rddreg [dreg:$0x2]  }
0x4: {  	s3 =	srdreg.scid;
	s13 =	stileid.u32  }
0x5: {  	s19 =	simm.s32 $0x1400;
	s20 =	simm.s32 $0x1C00;
	s28 =	simm.s32 $0x3C00  }
0x6: {  	s29 =	simm.s32 $0x5400;
	s30 =	simm.s32 $0x5C00;
	s18 =	simm.s32 $0x8400  }
0x7: {  	s21 =	simm.s32 $0xC400;
	s31 =	simm.s32 $0x1;
	s15 =	simm.s32 $0x4  }
0x8: {  	s16 =	simm.s32 $0x8;
	s17 =	simm.s32 $0x0;
	s4 =	sand.u32 $0x1, s3  }
0x9: {  	s3 =	simm.s32 $0x0;
	s5 =	sshll.u32 s13, $0xB;
	s8 =	sadd.s32 $0x400, s2  }
0xa: {  	s9 =	sadd.s32 $0x500, s2;
	s10 =	sadd.s32 $0x600, s2;
	s13 =	sshll.u32 s13, $0x13  }
0xb: {  	s6 =	sshll.u32 s4, $0xA;
	[smem:$0x7FF] =	sst s3;
	s7 =	ssub.s32 $0x2, s4  }
0xc: {  	s4 =	sshll.u32 s4, $0x12;
	s11 =	sor.u32 s6, s5;
	_ =	strace $0x80000047  }
0xd: {  	s22 =	sshrl.u32 s7, $0x1;
	s5 =	sadd.s32 $0x100, s2;
	[dreg:$0xb] =	wrdreg s17  }
0xe: {  	s6 =	sshrl.u32 s11, $0x3;
	s12 =	ssub.s32 s7, s22;
	s7 =	sadd.s32 $0x300, s2  }
0xf: {  	s23 =	sshll.u32 s11, $0x8;
	s11 =	sadd.s32 $0x700, s2;
	s22 =	simm.s32 $0xC00  }
0x10: {  	s0 =	sadd.s32 s0, s6;
	s6 =	sadd.s32 $0x200, s2;
	s26 =	smax.u32 s12, $0x1  }
0x11: {  	s12 =	simm.s32 $0x4400;
	[dreg:$0x5] =	wrdreg s0;
	s0 =	sadd.s32 s23, s1  }
0x12: {  	s1 =	sadd.s32 s13, s1;
	[dreg:$0xa] =	wrdreg s26;
	s14 =	sadd.s32 $0x3E000, s0  }
0x13: {  	s26 =	simm.s32 $0x400;
	s24 =	sadd.s32 $0x3E800, s0;
	[dreg:$0x6] =	wrdreg s14  }
0x14: {  	s23 =	simm.s32 $0x2400;
	s25 =	sadd.s32 $0x3F000, s0;
	[dreg:$0x7] =	wrdreg s24  }
0x15: {  	s13 =	simm.s32 $0x3;
	s0 =	sadd.s32 $0x3F800, s0;
	[dreg:$0x8] =	wrdreg s25  }
0x16: {  	v0 =	vlaneseq.u32;
	s1 =	sadd.s32 s4, s1;
	s4 =	simm.s32 $0x6;
	[dreg:$0x9] =	wrdreg s0  }
0x17: {  	v1 =	vshrl.u32 v0, $0x3;
	[dreg:$0x4] =	wrdreg s1;
	s24 =	simm.s32 $0x2C00;
	s25 =	simm.s32 $0x3400  }
0x18: {  	vm0 =	vmmov $0xffff;
	v0 =	vand.u32 $0x7, v0;
	v1 =	vmul.u32 $0x8, v1;
	s0 =	simm.s32 $0x5;
	s1 =	simm.s32 $0x2;
	s14 =	simm.s32 $0x7  }
.LBB2_1:
0x19: {  	s17 =	rddreg [dreg:$0x5]  }
0x1a: {  	[tilespmem:s3], [sflag:$0x9] =	stream.linear.gather [hbm4b:s17+s3], $0x400, $0x38;
	[tilespmem:$0x10400] =	vst v63  }
0x1b: {  	s17 =	simm.s32 $0x9  }
0x1c: {  	_ =	swait.ge [sflag:s17], $0x400  }
0x1d: {  	[sflag:s17] =	ssyncset.done $0x0  }
0x1e: {  	[sflag:s17] =	ssyncadd.s32 $0xFFFFFC00  }
0x1f: {  	v2 =	vld.msk [tilespmem:$0x0], $0xff;
	_ =	sdelay $0x4  }
0x20: {  	v3 =	vshll.u32 v2, $0x4  }
0x21: {  	v2 =	vand.u32 $0x7, v2;
	v3 =	vand.u32 $0xFFFFFF80, v3  }
0x22: {  	v2 =	vor.u32 v2, v3  }
0x23: {  	v2 =	vperm.xlane v2, v0;
	_ =	sdelay $0x1  }
0x24: {  	v2 =	vadd.s32 v1, v2;
	_ =	sdelay $0x4  }
0x25: {  	[tilespmem:s26], [sflag:$0x1] =	stream.indirect_vreg.gather [hbm4b:s2+s3], $0x80, v2, vm0, $0xb8;
	[tilespmem:$0x10400] =	vst v63  }
0x26: {  	_ = 	snop  }
0x27: {  	[tilespmem:s22], [sflag:$0x1] =	stream.indirect_vreg.gather [hbm4b:s5+s3], $0x80, v2, vm0, $0xb8;
	[tilespmem:$0x10400] =	vst v63  }
0x28: {  	_ = 	snop  }
0x29: {  	[tilespmem:s19], [sflag:$0x1] =	stream.indirect_vreg.gather [hbm4b:s6+s3], $0x80, v2, vm0, $0xb8;
	[tilespmem:$0x10400] =	vst v63  }
0x2a: {  	_ = 	snop  }
0x2b: {  	[tilespmem:s20], [sflag:$0x1] =	stream.indirect_vreg.gather [hbm4b:s7+s3], $0x80, v2, vm0, $0xb8;
	[tilespmem:$0x10400] =	vst v63  }
0x2c: {  	_ = 	snop  }
0x2d: {  	[tilespmem:s23], [sflag:$0x1] =	stream.indirect_vreg.gather [hbm4b:s8+s3], $0x80, v2, vm0, $0xb8;
	[tilespmem:$0x10400] =	vst v63  }
0x2e: {  	_ = 	snop  }
0x2f: {  	[tilespmem:s24], [sflag:$0x1] =	stream.indirect_vreg.gather [hbm4b:s9+s3], $0x80, v2, vm0, $0xb8;
	[tilespmem:$0x10400] =	vst v63  }
0x30: {  	_ = 	snop  }
0x31: {  	[tilespmem:s25], [sflag:$0x1] =	stream.indirect_vreg.gather [hbm4b:s10+s3], $0x80, v2, vm0, $0xb8;
	[tilespmem:$0x10400] =	vst v63  }
0x32: {  	_ = 	snop  }
0x33: {  	[tilespmem:s28], [sflag:$0x1] =	stream.indirect_vreg.gather [hbm4b:s11+s3], $0x80, v2, vm0, $0xb8;
	[tilespmem:$0x10400] =	vst v63  }
0x34: {  	v2 =	vld.msk [tilespmem:$0x8], $0xff;
	_ =	sdelay $0x4  }
0x35: {  	v3 =	vshll.u32 v2, $0x4  }
0x36: {  	v2 =	vand.u32 $0x7, v2;
	v3 =	vand.u32 $0xFFFFFF80, v3  }
0x37: {  	v2 =	vor.u32 v2, v3  }
0x38: {  	v2 =	vperm.xlane v2, v0;
	_ =	sdelay $0x1  }
0x39: {  	v2 =	vadd.s32 v1, v2;
	_ =	sdelay $0x4  }
0x3a: {  	[tilespmem:s12], [sflag:$0x2] =	stream.indirect_vreg.gather [hbm4b:s2+s3], $0x80, v2, vm0, $0xb8;
	[tilespmem:$0x10400] =	vst v63  }
0x3b: {  	s17 =	simm.s32 $0x4C00  }
0x3c: {  	[tilespmem:s17], [sflag:$0x2] =	stream.indirect_vreg.gather [hbm4b:s5+s3], $0x80, v2, vm0, $0xb8;
	[tilespmem:$0x10400] =	vst v63  }
0x3d: {  	_ = 	snop  }
0x3e: {  	[tilespmem:s29], [sflag:$0x2] =	stream.indirect_vreg.gather [hbm4b:s6+s3], $0x80, v2, vm0, $0xb8;
	[tilespmem:$0x10400] =	vst v63  }
0x3f: {  	_ = 	snop  }
0x40: {  	[tilespmem:s30], [sflag:$0x2] =	stream.indirect_vreg.gather [hbm4b:s7+s3], $0x80, v2, vm0, $0xb8;
	[tilespmem:$0x10400] =	vst v63  }
0x41: {  	s19 =	simm.s32 $0x6400  }
0x42: {  	[tilespmem:s19], [sflag:$0x2] =	stream.indirect_vreg.gather [hbm4b:s8+s3], $0x80, v2, vm0, $0xb8;
	[tilespmem:$0x10400] =	vst v63  }
0x43: {  	s20 =	simm.s32 $0x6C00  }
0x44: {  	[tilespmem:s20], [sflag:$0x2] =	stream.indirect_vreg.gather [hbm4b:s9+s3], $0x80, v2, vm0, $0xb8;
	[tilespmem:$0x10400] =	vst v63  }
0x45: {  	s23 =	simm.s32 $0x7400  }
0x46: {  	[tilespmem:s23], [sflag:$0x2] =	stream.indirect_vreg.gather [hbm4b:s10+s3], $0x80, v2, vm0, $0xb8;
	[tilespmem:$0x10400] =	vst v63  }
0x47: {  	s24 =	simm.s32 $0x7C00  }
0x48: {  	[tilespmem:s24], [sflag:$0x2] =	stream.indirect_vreg.gather [hbm4b:s11+s3], $0x80, v2, vm0, $0xb8;
	[tilespmem:$0x10400] =	vst v63  }
0x49: {  	v2 =	vld.msk [tilespmem:$0x10], $0xff;
	_ =	sdelay $0x4  }
0x4a: {  	v3 =	vshll.u32 v2, $0x4  }
0x4b: {  	v2 =	vand.u32 $0x7, v2;
	v3 =	vand.u32 $0xFFFFFF80, v3  }
0x4c: {  	v2 =	vor.u32 v2, v3  }
0x4d: {  	v2 =	vperm.xlane v2, v0;
	_ =	sdelay $0x1  }
0x4e: {  	v2 =	vadd.s32 v1, v2;
	_ =	sdelay $0x4  }
0x4f: {  	[tilespmem:s18], [sflag:$0x3] =	stream.indirect_vreg.gather [hbm4b:s2+s3], $0x80, v2, vm0, $0xb8;
	[tilespmem:$0x10400] =	vst v63  }
0x50: {  	s25 =	simm.s32 $0x8C00  }
0x51: {  	[tilespmem:s25], [sflag:$0x3] =	stream.indirect_vreg.gather [hbm4b:s5+s3], $0x80, v2, vm0, $0xb8;
	[tilespmem:$0x10400] =	vst v63  }
0x52: {  	s26 =	simm.s32 $0x9400  }
0x53: {  	[tilespmem:s26], [sflag:$0x3] =	stream.indirect_vreg.gather [hbm4b:s6+s3], $0x80, v2, vm0, $0xb8;
	[tilespmem:$0x10400] =	vst v63  }
0x54: {  	s29 =	simm.s32 $0x9C00  }
0x55: {  	[tilespmem:s29], [sflag:$0x3] =	stream.indirect_vreg.gather [hbm4b:s7+s3], $0x80, v2, vm0, $0xb8;
	[tilespmem:$0x10400] =	vst v63  }
0x56: {  	s17 =	simm.s32 $0xA400  }
0x57: {  	[tilespmem:s17], [sflag:$0x3] =	stream.indirect_vreg.gather [hbm4b:s8+s3], $0x80, v2, vm0, $0xb8;
	[tilespmem:$0x10400] =	vst v63  }
0x58: {  	s18 =	simm.s32 $0xAC00  }
0x59: {  	[tilespmem:s18], [sflag:$0x3] =	stream.indirect_vreg.gather [hbm4b:s9+s3], $0x80, v2, vm0, $0xb8;
	[tilespmem:$0x10400] =	vst v63  }
0x5a: {  	s19 =	simm.s32 $0xB400  }
0x5b: {  	[tilespmem:s19], [sflag:$0x3] =	stream.indirect_vreg.gather [hbm4b:s10+s3], $0x80, v2, vm0, $0xb8;
	[tilespmem:$0x10400] =	vst v63  }
0x5c: {  	s20 =	simm.s32 $0xBC00  }
0x5d: {  	[tilespmem:s20], [sflag:$0x3] =	stream.indirect_vreg.gather [hbm4b:s11+s3], $0x80, v2, vm0, $0xb8;
	[tilespmem:$0x10400] =	vst v63  }
0x5e: {  	v2 =	vld.msk [tilespmem:$0x18], $0xff;
	_ =	sdelay $0x4  }
0x5f: {  	v3 =	vshll.u32 v2, $0x4  }
0x60: {  	v2 =	vand.u32 $0x7, v2;
	v3 =	vand.u32 $0xFFFFFF80, v3  }
0x61: {  	v2 =	vor.u32 v2, v3  }
0x62: {  	v2 =	vperm.xlane v2, v0;
	_ =	sdelay $0x1  }
0x63: {  	v2 =	vadd.s32 v1, v2;
	_ =	sdelay $0x4  }
0x64: {  	[tilespmem:s21], [sflag:$0x4] =	stream.indirect_vreg.gather [hbm4b:s2+s3], $0x80, v2, vm0, $0xb8;
	[tilespmem:$0x10400] =	vst v63  }
0x65: {  	s23 =	simm.s32 $0xCC00  }
0x66: {  	[tilespmem:s23], [sflag:$0x4] =	stream.indirect_vreg.gather [hbm4b:s5+s3], $0x80, v2, vm0, $0xb8;
	[tilespmem:$0x10400] =	vst v63  }
0x67: {  	s24 =	simm.s32 $0xD400  }
0x68: {  	[tilespmem:s24], [sflag:$0x4] =	stream.indirect_vreg.gather [hbm4b:s6+s3], $0x80, v2, vm0, $0xb8;
	[tilespmem:$0x10400] =	vst v63  }
0x69: {  	s25 =	simm.s32 $0xDC00  }
0x6a: {  	[tilespmem:s25], [sflag:$0x4] =	stream.indirect_vreg.gather [hbm4b:s7+s3], $0x80, v2, vm0, $0xb8;
	[tilespmem:$0x10400] =	vst v63  }
0x6b: {  	s26 =	simm.s32 $0xE400  }
0x6c: {  	[tilespmem:s26], [sflag:$0x4] =	stream.indirect_vreg.gather [hbm4b:s8+s3], $0x80, v2, vm0, $0xb8;
	[tilespmem:$0x10400] =	vst v63  }
0x6d: {  	s28 =	simm.s32 $0xFC00;
	s29 =	simm.s32 $0xEC00  }
0x6e: {  	[tilespmem:s29], [sflag:$0x4] =	stream.indirect_vreg.gather [hbm4b:s9+s3], $0x80, v2, vm0, $0xb8;
	[tilespmem:$0x10400] =	vst v63  }
0x6f: {  	s30 =	simm.s32 $0x3C00;
	s17 =	simm.s32 $0x38;
	s25 =	simm.s32 $0xF400  }
0x70: {  	[tilespmem:s25], [sflag:$0x4] =	stream.indirect_vreg.gather [hbm4b:s10+s3], $0x80, v2, vm0, $0xb8;
	[tilespmem:$0x10400] =	vst v63  }
0x71: {  	s19 =	simm.s32 $0x0;
	s23 =	simm.s32 $0x5C00;
	s24 =	simm.s32 $0x1C00  }
0x72: {  	[tilespmem:s28], [sflag:$0x4] =	stream.indirect_vreg.gather [hbm4b:s11+s3], $0x80, v2, vm0, $0xb8;
	[tilespmem:$0x10400] =	vst v63  }
.LBB2_2:
0x73: {  	_ =	swait.ge [sflag:s31], $0x4000  }
0x74: {  	s20 =	rddreg [dreg:$0x4];
	[sflag:s31] =	ssyncset.done $0x0  }
0x75: {  	s12 =	simm.s32 $0x400;
	[sflag:s31] =	ssyncadd.s32 $0xFFFFC000;
	s20 =	sadd.s32 s19, s20  }
0x76: {  	[hbm4b:s20+s3] =	stream.linear.scatter [tilespmem:s12], [sflag:$0x5], $0x4000, $0x38;
	[tilespmem:$0x10400] =	vst v63  }
0x77: {  	_ =	swait.ge [sflag:s0], $0x4000  }
0x78: {  	[sflag:s0] =	ssyncset.done $0x0  }
0x79: {  	[sflag:s0] =	ssyncadd.s32 $0xFFFFC000  }
0x7a: {  	v2 =	vld.msk [tilespmem:s17+$0xFFFFFFE8], $0xff;
	_ =	sdelay $0x4  }
0x7b: {  	v3 =	vshll.u32 v2, $0x4  }
0x7c: {  	v2 =	vand.u32 $0x7, v2;
	v3 =	vand.u32 $0xFFFFFF80, v3  }
0x7d: {  	v2 =	vor.u32 v2, v3  }
0x7e: {  	v2 =	vperm.xlane v2, v0;
	_ =	sdelay $0x1  }
0x7f: {  	v2 =	vadd.s32 v1, v2;
	_ =	sdelay $0x4  }
0x80: {  	[tilespmem:s12], [sflag:$0x1] =	stream.indirect_vreg.gather [hbm4b:s2+s3], $0x80, v2, vm0, $0xb8;
	[tilespmem:$0x10400] =	vst v63  }
0x81: {  	_ = 	snop  }
0x82: {  	[tilespmem:s22], [sflag:$0x1] =	stream.indirect_vreg.gather [hbm4b:s5+s3], $0x80, v2, vm0, $0xb8;
	[tilespmem:$0x10400] =	vst v63  }
0x83: {  	s29 =	simm.s32 $0x1400  }
0x84: {  	[tilespmem:s29], [sflag:$0x1] =	stream.indirect_vreg.gather [hbm4b:s6+s3], $0x80, v2, vm0, $0xb8;
	[tilespmem:$0x10400] =	vst v63  }
0x85: {  	_ = 	snop  }
0x86: {  	[tilespmem:s24], [sflag:$0x1] =	stream.indirect_vreg.gather [hbm4b:s7+s3], $0x80, v2, vm0, $0xb8;
	[tilespmem:$0x10400] =	vst v63  }
0x87: {  	s18 =	simm.s32 $0x2400  }
0x88: {  	[tilespmem:s18], [sflag:$0x1] =	stream.indirect_vreg.gather [hbm4b:s8+s3], $0x80, v2, vm0, $0xb8;
	[tilespmem:$0x10400] =	vst v63  }
0x89: {  	s22 =	simm.s32 $0x2C00  }
0x8a: {  	[tilespmem:s22], [sflag:$0x1] =	stream.indirect_vreg.gather [hbm4b:s9+s3], $0x80, v2, vm0, $0xb8;
	[tilespmem:$0x10400] =	vst v63  }
0x8b: {  	s29 =	simm.s32 $0x3400  }
0x8c: {  	[tilespmem:s29], [sflag:$0x1] =	stream.indirect_vreg.gather [hbm4b:s10+s3], $0x80, v2, vm0, $0xb8;
	[tilespmem:$0x10400] =	vst v63  }
0x8d: {  	_ = 	snop  }
0x8e: {  	[tilespmem:s30], [sflag:$0x1] =	stream.indirect_vreg.gather [hbm4b:s11+s3], $0x80, v2, vm0, $0xb8;
	[tilespmem:$0x10400] =	vst v63  }
0x8f: {  	_ =	swait.ge [sflag:s1], $0x4000  }
0x90: {  	[sflag:s1] =	ssyncset.done $0x0  }
0x91: {  	s12 =	sadd.s32 $0x800, s20;
	s18 =	simm.s32 $0x4400;
	[sflag:s1] =	ssyncadd.s32 $0xFFFFC000  }
0x92: {  	[hbm4b:s12+s3] =	stream.linear.scatter [tilespmem:s18], [sflag:$0x6], $0x4000, $0x38;
	[tilespmem:$0x10400] =	vst v63  }
0x93: {  	_ =	swait.ge [sflag:s4], $0x4000  }
0x94: {  	[sflag:s4] =	ssyncset.done $0x0  }
0x95: {  	[sflag:s4] =	ssyncadd.s32 $0xFFFFC000  }
0x96: {  	v2 =	vld.msk [tilespmem:s17+$0xFFFFFFF0], $0xff;
	_ =	sdelay $0x4  }
0x97: {  	v3 =	vshll.u32 v2, $0x4  }
0x98: {  	v2 =	vand.u32 $0x7, v2;
	v3 =	vand.u32 $0xFFFFFF80, v3  }
0x99: {  	v2 =	vor.u32 v2, v3  }
0x9a: {  	v2 =	vperm.xlane v2, v0;
	_ =	sdelay $0x1  }
0x9b: {  	v2 =	vadd.s32 v1, v2;
	_ =	sdelay $0x4  }
0x9c: {  	[tilespmem:s18], [sflag:$0x2] =	stream.indirect_vreg.gather [hbm4b:s2+s3], $0x80, v2, vm0, $0xb8;
	[tilespmem:$0x10400] =	vst v63  }
0x9d: {  	s22 =	simm.s32 $0x4C00  }
0x9e: {  	[tilespmem:s22], [sflag:$0x2] =	stream.indirect_vreg.gather [hbm4b:s5+s3], $0x80, v2, vm0, $0xb8;
	[tilespmem:$0x10400] =	vst v63  }
0x9f: {  	s29 =	simm.s32 $0x5400  }
0xa0: {  	[tilespmem:s29], [sflag:$0x2] =	stream.indirect_vreg.gather [hbm4b:s6+s3], $0x80, v2, vm0, $0xb8;
	[tilespmem:$0x10400] =	vst v63  }
0xa1: {  	_ = 	snop  }
0xa2: {  	[tilespmem:s23], [sflag:$0x2] =	stream.indirect_vreg.gather [hbm4b:s7+s3], $0x80, v2, vm0, $0xb8;
	[tilespmem:$0x10400] =	vst v63  }
0xa3: {  	s22 =	simm.s32 $0x6400  }
0xa4: {  	[tilespmem:s22], [sflag:$0x2] =	stream.indirect_vreg.gather [hbm4b:s8+s3], $0x80, v2, vm0, $0xb8;
	[tilespmem:$0x10400] =	vst v63  }
0xa5: {  	s29 =	simm.s32 $0x6C00  }
0xa6: {  	[tilespmem:s29], [sflag:$0x2] =	stream.indirect_vreg.gather [hbm4b:s9+s3], $0x80, v2, vm0, $0xb8;
	[tilespmem:$0x10400] =	vst v63  }
0xa7: {  	s22 =	simm.s32 $0x7400  }
0xa8: {  	[tilespmem:s22], [sflag:$0x2] =	stream.indirect_vreg.gather [hbm4b:s10+s3], $0x80, v2, vm0, $0xb8;
	[tilespmem:$0x10400] =	vst v63  }
0xa9: {  	s29 =	simm.s32 $0x7C00  }
0xaa: {  	[tilespmem:s29], [sflag:$0x2] =	stream.indirect_vreg.gather [hbm4b:s11+s3], $0x80, v2, vm0, $0xb8;
	[tilespmem:$0x10400] =	vst v63  }
0xab: {  	_ =	swait.ge [sflag:s13], $0x4000  }
0xac: {  	[sflag:s13] =	ssyncset.done $0x0  }
0xad: {  	s18 =	sadd.s32 $0x1000, s20;
	s29 =	simm.s32 $0x8400;
	[sflag:s13] =	ssyncadd.s32 $0xFFFFC000  }
0xae: {  	[hbm4b:s18+s3] =	stream.linear.scatter [tilespmem:s29], [sflag:$0x7], $0x4000, $0x38;
	[tilespmem:$0x10400] =	vst v63  }
0xaf: {  	_ =	swait.ge [sflag:s14], $0x4000  }
0xb0: {  	[sflag:s14] =	ssyncset.done $0x0  }
0xb1: {  	[sflag:s14] =	ssyncadd.s32 $0xFFFFC000  }
0xb2: {  	v2 =	vld.msk [tilespmem:s17+$0xFFFFFFF8], $0xff;
	_ =	sdelay $0x4  }
0xb3: {  	v3 =	vshll.u32 v2, $0x4  }
0xb4: {  	v2 =	vand.u32 $0x7, v2;
	v3 =	vand.u32 $0xFFFFFF80, v3  }
0xb5: {  	v2 =	vor.u32 v2, v3  }
0xb6: {  	v2 =	vperm.xlane v2, v0;
	_ =	sdelay $0x1  }
0xb7: {  	v2 =	vadd.s32 v1, v2;
	_ =	sdelay $0x4  }
0xb8: {  	[tilespmem:s29], [sflag:$0x3] =	stream.indirect_vreg.gather [hbm4b:s2+s3], $0x80, v2, vm0, $0xb8;
	[tilespmem:$0x10400] =	vst v63  }
0xb9: {  	s29 =	simm.s32 $0x8C00  }
0xba: {  	[tilespmem:s29], [sflag:$0x3] =	stream.indirect_vreg.gather [hbm4b:s5+s3], $0x80, v2, vm0, $0xb8;
	[tilespmem:$0x10400] =	vst v63  }
0xbb: {  	s29 =	simm.s32 $0x9400  }
0xbc: {  	[tilespmem:s29], [sflag:$0x3] =	stream.indirect_vreg.gather [hbm4b:s6+s3], $0x80, v2, vm0, $0xb8;
	[tilespmem:$0x10400] =	vst v63  }
0xbd: {  	s29 =	simm.s32 $0x9C00  }
0xbe: {  	[tilespmem:s29], [sflag:$0x3] =	stream.indirect_vreg.gather [hbm4b:s7+s3], $0x80, v2, vm0, $0xb8;
	[tilespmem:$0x10400] =	vst v63  }
0xbf: {  	s29 =	simm.s32 $0xA400  }
0xc0: {  	[tilespmem:s29], [sflag:$0x3] =	stream.indirect_vreg.gather [hbm4b:s8+s3], $0x80, v2, vm0, $0xb8;
	[tilespmem:$0x10400] =	vst v63  }
0xc1: {  	s29 =	simm.s32 $0xAC00  }
0xc2: {  	[tilespmem:s29], [sflag:$0x3] =	stream.indirect_vreg.gather [hbm4b:s9+s3], $0x80, v2, vm0, $0xb8;
	[tilespmem:$0x10400] =	vst v63  }
0xc3: {  	s29 =	simm.s32 $0xB400  }
0xc4: {  	[tilespmem:s29], [sflag:$0x3] =	stream.indirect_vreg.gather [hbm4b:s10+s3], $0x80, v2, vm0, $0xb8;
	[tilespmem:$0x10400] =	vst v63  }
0xc5: {  	s29 =	simm.s32 $0xBC00  }
0xc6: {  	[tilespmem:s29], [sflag:$0x3] =	stream.indirect_vreg.gather [hbm4b:s11+s3], $0x80, v2, vm0, $0xb8;
	[tilespmem:$0x10400] =	vst v63  }
0xc7: {  	_ =	swait.ge [sflag:s15], $0x4000  }
0xc8: {  	[sflag:s15] =	ssyncset.done $0x0  }
0xc9: {  	s20 =	sadd.s32 $0x1800, s20;
	[sflag:s15] =	ssyncadd.s32 $0xFFFFC000  }
0xca: {  	[hbm4b:s20+s3] =	stream.linear.scatter [tilespmem:s21], [sflag:$0x8], $0x4000, $0x38;
	[tilespmem:$0x10400] =	vst v63  }
0xcb: {  	_ =	swait.ge [sflag:s16], $0x4000  }
0xcc: {  	[sflag:s16] =	ssyncset.done $0x0  }
0xcd: {  	[sflag:s16] =	ssyncadd.s32 $0xFFFFC000  }
0xce: {  	v2 =	vld.msk [tilespmem:s17+$0x0], $0xff;
	_ =	sdelay $0x4  }
0xcf: {  	v3 =	vshll.u32 v2, $0x4  }
0xd0: {  	v2 =	vand.u32 $0x7, v2;
	v3 =	vand.u32 $0xFFFFFF80, v3  }
0xd1: {  	v2 =	vor.u32 v2, v3  }
0xd2: {  	v2 =	vperm.xlane v2, v0;
	_ =	sdelay $0x1  }
0xd3: {  	v2 =	vadd.s32 v1, v2;
	_ =	sdelay $0x4  }
0xd4: {  	[tilespmem:s21], [sflag:$0x4] =	stream.indirect_vreg.gather [hbm4b:s2+s3], $0x80, v2, vm0, $0xb8;
	[tilespmem:$0x10400] =	vst v63  }
0xd5: {  	s29 =	simm.s32 $0xCC00  }
0xd6: {  	[tilespmem:s29], [sflag:$0x4] =	stream.indirect_vreg.gather [hbm4b:s5+s3], $0x80, v2, vm0, $0xb8;
	[tilespmem:$0x10400] =	vst v63  }
0xd7: {  	s29 =	simm.s32 $0xD400  }
0xd8: {  	[tilespmem:s29], [sflag:$0x4] =	stream.indirect_vreg.gather [hbm4b:s6+s3], $0x80, v2, vm0, $0xb8;
	[tilespmem:$0x10400] =	vst v63  }
0xd9: {  	s29 =	simm.s32 $0xDC00  }
0xda: {  	[tilespmem:s29], [sflag:$0x4] =	stream.indirect_vreg.gather [hbm4b:s7+s3], $0x80, v2, vm0, $0xb8;
	[tilespmem:$0x10400] =	vst v63  }
0xdb: {  	s29 =	simm.s32 $0xE400  }
0xdc: {  	[tilespmem:s29], [sflag:$0x4] =	stream.indirect_vreg.gather [hbm4b:s8+s3], $0x80, v2, vm0, $0xb8;
	[tilespmem:$0x10400] =	vst v63  }
0xdd: {  	p0 =	sne.s32 s19, $0x3C000;
	s29 =	simm.s32 $0xEC00  }
0xde: {  	[tilespmem:s29], [sflag:$0x4] =	stream.indirect_vreg.gather [hbm4b:s9+s3], $0x80, v2, vm0, $0xb8;
	[tilespmem:$0x10400] =	vst v63  }
.Ltmp0:
0xdf: {  	_ = 	snop;
	(pc) =	sbr.rel @p0 .LBB2_2-.Ltmp0, $4  }
0xe0: {  	s26 =	simm.s32 $0x400;
	s19 =	sadd.s32 $0x2000, s19;
	s12 =	simm.s32 $0x4400  }
0xe1: {  	[tilespmem:s25], [sflag:$0x4] =	stream.indirect_vreg.gather [hbm4b:s10+s3], $0x80, v2, vm0, $0xb8;
	[tilespmem:$0x10400] =	vst v63  }
0xe2: {  	s22 =	simm.s32 $0xC00;
	s18 =	simm.s32 $0x8400;
	s17 =	sadd.s32 $0x20, s17  }
0xe3: {  	[tilespmem:s28], [sflag:$0x4] =	stream.indirect_vreg.gather [hbm4b:s11+s3], $0x80, v2, vm0, $0xb8;
	[tilespmem:$0x10400] =	vst v63  }
0xe4: {  	_ =	swait.ge [sflag:s31], $0x4000  }
0xe5: {  	[sflag:s31] =	ssyncset.done $0x0  }
0xe6: {  	s17 =	rddreg [dreg:$0x6];
	[sflag:s31] =	ssyncadd.s32 $0xFFFFC000  }
0xe7: {  	[hbm4b:s17+s3] =	stream.linear.scatter [tilespmem:s26], [sflag:$0x5], $0x4000, $0x38;
	[tilespmem:$0x10400] =	vst v63  }
0xe8: {  	_ =	swait.ge [sflag:s0], $0x4000  }
0xe9: {  	[sflag:s0] =	ssyncset.done $0x0  }
0xea: {  	[sflag:s0] =	ssyncadd.s32 $0xFFFFC000  }
0xeb: {  	_ =	swait.ge [sflag:s1], $0x4000  }
0xec: {  	[sflag:s1] =	ssyncset.done $0x0  }
0xed: {  	s20 =	rddreg [dreg:$0x7];
	[sflag:s1] =	ssyncadd.s32 $0xFFFFC000  }
0xee: {  	[hbm4b:s20+s3] =	stream.linear.scatter [tilespmem:s12], [sflag:$0x6], $0x4000, $0x38;
	[tilespmem:$0x10400] =	vst v63  }
0xef: {  	_ =	swait.ge [sflag:s4], $0x4000  }
0xf0: {  	[sflag:s4] =	ssyncset.done $0x0  }
0xf1: {  	[sflag:s4] =	ssyncadd.s32 $0xFFFFC000  }
0xf2: {  	_ =	swait.ge [sflag:s13], $0x4000  }
0xf3: {  	[sflag:s13] =	ssyncset.done $0x0  }
0xf4: {  	s23 =	rddreg [dreg:$0x8];
	[sflag:s13] =	ssyncadd.s32 $0xFFFFC000  }
0xf5: {  	[hbm4b:s23+s3] =	stream.linear.scatter [tilespmem:s18], [sflag:$0x7], $0x4000, $0x38;
	[tilespmem:$0x10400] =	vst v63  }
0xf6: {  	_ =	swait.ge [sflag:s14], $0x4000  }
0xf7: {  	[sflag:s14] =	ssyncset.done $0x0  }
0xf8: {  	[sflag:s14] =	ssyncadd.s32 $0xFFFFC000  }
0xf9: {  	_ =	swait.ge [sflag:s15], $0x4000  }
0xfa: {  	[sflag:s15] =	ssyncset.done $0x0  }
0xfb: {  	s24 =	rddreg [dreg:$0x9];
	[sflag:s15] =	ssyncadd.s32 $0xFFFFC000  }
0xfc: {  	[hbm4b:s24+s3] =	stream.linear.scatter [tilespmem:s21], [sflag:$0x8], $0x4000, $0x38;
	[tilespmem:$0x10400] =	vst v63  }
0xfd: {  	_ =	swait.ge [sflag:s16], $0x4000  }
0xfe: {  	s19 =	rddreg [dreg:$0xb]  }
0xff: {  	s25 =	rddreg [dreg:$0xa];
	s19 =	sadd.s32 $0x1, s19  }
0x100: {  	p0 =	sne.s32 s19, s25  }
.Ltmp1:
0x101: {  	_ = 	snop;
	(pc) =	sbr.rel @p0 .LBB2_1-.Ltmp1, $4  }
0x102: {  	s28 =	simm.s32 $0x3C00;
	s29 =	simm.s32 $0x5400  }
0x103: {  	s30 =	simm.s32 $0x5C00;
	s20 =	simm.s32 $0x1C00;
	[sflag:s16] =	ssyncset.done $0x0  }
0x104: {  	s23 =	simm.s32 $0x2400;
	s24 =	simm.s32 $0x2C00;
	[sflag:s16] =	ssyncadd.s32 $0xFFFFC000  }
0x105: {  	[dreg:$0xb] =	wrdreg s19;
	s19 =	simm.s32 $0x1400;
	s25 =	simm.s32 $0x3400  }
0x106: {  	_ =	sfence.sel $0x180000  }
0x107: {  	[bflag:$0x0] =	sbarrier.arrive $0xFFFF  }
0x108: {  	_ =	strace $0x90000047  }
0x109: {  	s0 =	stileid.u32;
	[bflag:$0x2] =	sbarrier.arrive $0xFFFF  }
0x10a: {  	p0 =	sne.s32 s0, $0x0;
	s0 =	rddreg [dreg:$0x3]  }
0x10b: {  	s0 =	sadd.s32 @!p0 $0x100000, s0  }
0x10c: {  	[sflag:s0] =	ssyncadd.tile.s32 @!p0 $0x1;
	_ =	shalt  }
.Lfunc_end2:
_tile_overlayer_lowered:
.L_overlay_start_2:
0x10d: {  	(tag) =	ssettag $0x2  }
0x10e: {  	s0 =	rddreg [dreg:$0x0];
	s2 =	stileid.u32  }
0x10f: {  	s1 =	rddreg [dreg:$0x1];
	p0 =	sne.s32 s2, $0x0  }
0x110: {  	s3 =	rddreg [dreg:$0x2];
	[bflag:$0x3] =	sbarrier.arrive $0xFFFF;
	s2 =	simm.s32 @!p0 $0x1C09  }
0x111: {  	[timem:s3], [sflag:s2] =	dma.local @!p0 [hbm:s0], s1  }
0x112: {  	s0 =	simm.s32 @!p0 $0x9  }
0x113: {  	_ =	swait.ge @!p0 [sflag:s0], s1  }
0x114: {  	s1 =	ssub.s32 @!p0 $0x0, s1;
	[sflag:s0] =	ssyncset.done @!p0 $0x0  }
0x115: {  	[sflag:s0] =	ssyncadd.s32 @!p0 s1  }
0x116: {  	[bflag:$0x3] =	sbarrier.arrive $0xFFFF  }
0x117: {  	_ =	shalt  }

</sc_bundles>
